<compile_context>
chip_gen: v7x
topology: tpu7x:2x2x1
jax: 0.10.2.dev20260603
libtpu: 0.0.44.dev20260713+nightly
codegen_flags: <defaults>
</compile_context>

<pallas_src>
import functools

import jax
import jax.numpy as jnp
from jax import lax
from jax.experimental import pallas as pl
from jax.experimental.pallas import tpu as pltpu
from jax.experimental.pallas import tpu_sc as plsc

N = 10000
NE = 320000
D_IN = 128
D_HID = 32

NW = 32
C = 128
KC0 = 84
KC1 = 76
KC = KC0 + KC1
EP = 16 * KC * C
NP = 10112
RPT = NP // 16
NBUF = 4

_mesh = plsc.VectorSubcoreMesh(core_axis_name="c", subcore_axis_name="s")
_params = pltpu.CompilerParams(use_tc_tiling_on_sc=False)


def _deg_body(dst_hbm, out_hbm, dst_v, ones_v, z_v, acc_sh, sem):
    cid = lax.axis_index("c")
    sid = lax.axis_index("s")
    for i in range(C // 16):
        ones_v[pl.ds(i * 16, 16)] = jnp.ones((16,), jnp.float32)

    def zfill(i, c):
        z_v[pl.ds(i * 16, 16)] = jnp.zeros((16,), jnp.float32)
        return c

    lax.fori_loop(0, RPT // 16 + 1, zfill, 0)
    pltpu.sync_copy(z_v.at[pl.ds(0, RPT)], acc_sh.at[pl.ds(sid * RPT, RPT)])

    @pl.when(cid == 0)
    def _():
        pltpu.sync_copy(dst_hbm.at[pl.ds(sid * KC0, KC0)],
                        dst_v.at[pl.ds(0, KC0)])

    @pl.when(cid == 1)
    def _():
        pltpu.sync_copy(dst_hbm.at[pl.ds(16 * KC0 + sid * KC1, KC1)],
                        dst_v.at[pl.ds(0, KC1)])

    plsc.subcore_barrier()

    def scatter_all(kc):
        def fire(j, c):
            pltpu.async_copy(ones_v, acc_sh.at[dst_v.at[j]], sem, add=True)
            return c

        lax.fori_loop(0, kc, fire, 0)

        def drain(j, c):
            pltpu.make_async_copy(ones_v, acc_sh.at[dst_v.at[0]], sem).wait()
            return c

        lax.fori_loop(0, kc, drain, 0)

    @pl.when(cid == 0)
    def _():
        scatter_all(KC0)

    @pl.when(cid == 1)
    def _():
        scatter_all(KC1)

    plsc.subcore_barrier()
    pltpu.sync_copy(acc_sh.at[pl.ds(sid * RPT, RPT)], z_v.at[pl.ds(0, RPT)])
    pltpu.sync_copy(z_v.at[pl.ds(0, RPT)],
                    out_hbm.at[pl.ds(cid * NP + sid * RPT, RPT)])


_deg_call = functools.partial(
    pl.kernel, _deg_body,
    mesh=_mesh,
    compiler_params=_params,
    out_type=jax.ShapeDtypeStruct((2 * NP,), jnp.float32),
    scratch_types=[
        pltpu.VMEM((max(KC0, KC1), C), jnp.int32),
        pltpu.VMEM((C,), jnp.float32),
        pltpu.VMEM((RPT + 16,), jnp.float32),
        pltpu.VMEM_SHARED((NP,), jnp.float32),
        pltpu.SemaphoreType.DMA,
    ],
)()


def _seg_body(src_hbm, dst_hbm, t_hbm, zeros_hbm, out_hbm,
              src_v, dst_v, rows_v, acc_sh, t_sh, sems):
    cid = lax.axis_index("c")
    sid = lax.axis_index("s")
    pltpu.sync_copy(zeros_hbm.at[pl.ds(sid * RPT, RPT)],
                    acc_sh.at[pl.ds(sid * RPT, RPT)])
    pltpu.sync_copy(t_hbm.at[pl.ds(sid * RPT, RPT)],
                    t_sh.at[pl.ds(sid * RPT, RPT)])

    @pl.when(cid == 0)
    def _():
        pltpu.sync_copy(src_hbm.at[pl.ds(sid * KC0, KC0)],
                        src_v.at[pl.ds(0, KC0)])
        pltpu.sync_copy(dst_hbm.at[pl.ds(sid * KC0, KC0)],
                        dst_v.at[pl.ds(0, KC0)])

    @pl.when(cid == 1)
    def _():
        pltpu.sync_copy(src_hbm.at[pl.ds(16 * KC0 + sid * KC1, KC1)],
                        src_v.at[pl.ds(0, KC1)])
        pltpu.sync_copy(dst_hbm.at[pl.ds(16 * KC0 + sid * KC1, KC1)],
                        dst_v.at[pl.ds(0, KC1)])

    plsc.subcore_barrier()

    def gather(j, b):
        return pltpu.make_async_copy(t_sh.at[src_v.at[j]], rows_v.at[b],
                                     sems.at[b])

    def ring(kc):
        for b in range(NBUF):
            gather(b, b).start()

        def group(g, c):
            j0 = g * NBUF
            for b in range(NBUF):
                j = j0 + b
                gather(j, b).wait()
                pltpu.sync_copy(rows_v.at[b], acc_sh.at[dst_v.at[j]], add=True)

                @pl.when(j + NBUF < kc)
                def _():
                    gather(j + NBUF, b).start()
            return c

        lax.fori_loop(0, kc // NBUF, group, 0)

    @pl.when(cid == 0)
    def _():
        ring(KC0)

    @pl.when(cid == 1)
    def _():
        ring(KC1)

    plsc.subcore_barrier()
    pltpu.sync_copy(acc_sh.at[pl.ds(sid * RPT, RPT)],
                    out_hbm.at[pl.ds(cid * NP + sid * RPT, RPT)])


_seg_call = functools.partial(
    pl.kernel, _seg_body,
    mesh=_mesh,
    compiler_params=_params,
    out_type=jax.ShapeDtypeStruct((2 * NP, D_HID), jnp.bfloat16),
    scratch_types=[
        pltpu.VMEM((max(KC0, KC1), C), jnp.int32),
        pltpu.VMEM((max(KC0, KC1), C), jnp.int32),
        pltpu.VMEM((NBUF, C, D_HID), jnp.bfloat16),
        pltpu.VMEM_SHARED((NP, D_HID), jnp.bfloat16),
        pltpu.VMEM_SHARED((NP, D_HID), jnp.bfloat16),
        pltpu.SemaphoreType.DMA((NBUF,)),
    ],
)()


def _mmscale_body(x_ref, w_ref, d0_ref, d1_ref, t_ref):
    xw = jnp.dot(x_ref[...], w_ref[...], preferred_element_type=jnp.float32)
    dinv = lax.rsqrt(d0_ref[:N] + d1_ref[:N] + 1.0)
    t_ref[:N] = (xw * dinv).astype(jnp.bfloat16)
    t_ref[N:] = jnp.zeros((NP - N, D_HID), jnp.bfloat16)


def _finish_body(s_ref, t_ref, d0_ref, d1_ref, b_ref,
                 wmu_ref, bmu_ref, wlv_ref, blv_ref, mu_ref, lv_ref):
    agg = (s_ref[:NP].astype(jnp.float32) + s_ref[NP:].astype(jnp.float32)
           + t_ref[...].astype(jnp.float32))
    dinv = lax.rsqrt(d0_ref[...] + d1_ref[...] + 1.0)
    h = jnp.maximum(agg * dinv + b_ref[...], 0.0)
    rows = lax.broadcasted_iota(jnp.int32, (NP, 1), 0)
    h = jnp.where(rows < N, h, 0.0)
    hm = jnp.sum(h, axis=0, keepdims=True) * (1.0 / N)
    mu_ref[...] = (jnp.dot(hm, wmu_ref[...], preferred_element_type=jnp.float32)
                   + bmu_ref[...])
    lv_ref[...] = (jnp.dot(hm, wlv_ref[...], preferred_element_type=jnp.float32)
                   + blv_ref[...])


def kernel(x, edge_index, W, b, Wmu, bmu, Wlv, blv):
    ei = edge_index.astype(jnp.int32)
    pad_e = EP - NE
    src = jnp.concatenate([ei[0], jnp.full((pad_e,), N, jnp.int32)])
    dst = jnp.concatenate([ei[1], jnp.full((pad_e,), N, jnp.int32)])
    src2 = src.reshape(16 * KC, C)
    dst2 = dst.reshape(16 * KC, C)
    zeros2 = jnp.zeros((NP, D_HID), jnp.bfloat16)

    deg_p = _deg_call(dst2)
    d0 = deg_p[:NP].reshape(NP, 1)
    d1 = deg_p[NP:].reshape(NP, 1)

    t = pl.pallas_call(
        _mmscale_body,
        out_shape=jax.ShapeDtypeStruct((NP, D_HID), jnp.bfloat16),
    )(x, W, d0, d1)

    s_p = _seg_call(src2, dst2, t, zeros2)

    mu, lv = pl.pallas_call(
        _finish_body,
        out_shape=(jax.ShapeDtypeStruct((1, D_HID), jnp.float32),
                   jax.ShapeDtypeStruct((1, D_HID), jnp.float32)),
    )(s_p, t, d0, d1, b.reshape(1, D_HID),
      Wmu, bmu.reshape(1, D_HID), Wlv, blv.reshape(1, D_HID))
    return (mu.reshape(D_HID), lv.reshape(D_HID))

# --- scband reference (transcript-rebuilt; emitter-appended) ---
"""Pipeline reference for scband-encoder-46059229283088 (READ-ONLY COPY).

The authoritative reference and input builder live on the scoring server;
editing this copy changes nothing except your own understanding.
"""

import jax, jax.numpy as jnp
import numpy as np

N = 10000
E = 320000
D_IN = 128
D_HID = 32
LATENT = 32

def setup_inputs(seed: int = 0) -> dict:
    key = jax.random.key(seed)
    ks = jax.random.split(key, 9)
    x = jax.random.normal(ks[0], (N, D_IN), dtype=jnp.float32)
    edge_index = jax.random.randint(ks[1], (2, E), 0, N, dtype=jnp.int64)
    W = jax.random.normal(ks[2], (D_IN, D_HID), dtype=jnp.float32) * (1.0 / np.sqrt(D_IN))
    b = jnp.zeros((D_HID,), dtype=jnp.float32)
    Wmu = jax.random.normal(ks[3], (D_HID, LATENT), dtype=jnp.float32) * (1.0 / np.sqrt(D_HID))
    bmu = jnp.zeros((LATENT,), dtype=jnp.float32)
    Wlv = jax.random.normal(ks[4], (D_HID, LATENT), dtype=jnp.float32) * (1.0 / np.sqrt(D_HID))
    blv = jnp.zeros((LATENT,), dtype=jnp.float32)
    return {"x": x, "edge_index": edge_index, "W": W, "b": b, "Wmu": Wmu, "bmu": bmu, "Wlv": Wlv, "blv": blv}

def _gcn_conv(x, edge_index, W, b):
    n = x.shape[0]
    loops = jnp.arange(n, dtype=edge_index.dtype)
    src = jnp.concatenate([edge_index[0], loops])
    dst = jnp.concatenate([edge_index[1], loops])
    deg = jnp.zeros((n,), dtype=x.dtype).at[dst].add(1.0)
    dinv = jnp.where(deg > 0, jax.lax.rsqrt(deg), 0.0)
    norm = dinv[src] * dinv[dst]
    xw = x @ W
    msg = jnp.take(xw, src, axis=0) * norm[:, None]
    out = jnp.zeros((n, W.shape[1]), dtype=x.dtype).at[dst].add(msg)
    return out + b

def reference(x, edge_index, W, b, Wmu, bmu, Wlv, blv):
    h = jax.nn.relu(_gcn_conv(x, edge_index, W, b))
    hm = h.mean(0)
    mu = hm @ Wmu + bmu
    logvar = hm @ Wlv + blv
    return (mu, logvar)

if __name__ == "__main__":
    import jax
    _d = setup_inputs()
    print(jax.jit(kernel)(*tuple(_d.values())))

</pallas_src>

<mosaic_0001>
#map = affine_map<(d0, d1) -> (0, 0)>
#map1 = affine_map<(d0, d1) -> (0)>
module attributes {stable_mosaic.version = 14 : i64} {
  func.func @_deg_body(%arg0: i32, %arg1: i32, %arg2: memref<2560x128xi32, #tpu.memory_space<hbm>>, %arg3: memref<20224xf32, #tpu.memory_space<hbm>>, %arg4: memref<84x128xi32, #tpu.memory_space<vmem>>, %arg5: memref<128xf32, #tpu.memory_space<vmem>>, %arg6: memref<648xf32, #tpu.memory_space<vmem>>, %arg7: memref<10112xf32, #tpu.memory_space<vmem_shared>>, %arg8: memref<!tpu.dma_semaphore, #tpu.memory_space<semaphore_mem>>) attributes {dimension_semantics = [#tpu.dimension_semantics<core_parallel>, #tpu.dimension_semantics<subcore_parallel>], iteration_bounds = array<i64: 2, 16>, scalar_prefetch = 0 : i64, scratch_operands = 5 : i64, tpu.core_type = #tpu.core_type<sc_vector_subcore>, window_params = [{transform_indices = #map}, {transform_indices = #map1}]} {
    %broadcast_in_dim3A = arith.constant 1.000000e+00 : f32
    %broadcast_in_dim3A_0 = vector.broadcast %broadcast_in_dim3A : f32 to vector<16xf32>
    %swap3A = arith.constant 0 : index
    %swap3A_1 = tpu.vector_load %arg5[%swap3A] {strides = array<i32>} : memref<128xf32, #tpu.memory_space<vmem>>, vector<16xf32>,
    %swap3A_2 = vector.shape_cast %swap3A_1 : vector<16xf32> to vector<16xf32>
    %swap3A_3 = vector.shape_cast %broadcast_in_dim3A_0 : vector<16xf32> to vector<16xf32>
    tpu.vector_store %arg5[%swap3A], %swap3A_3 {strides = array<i32>} : memref<128xf32, #tpu.memory_space<vmem>>, vector<16xf32>,
    %broadcast_in_dim3A_4 = arith.constant 1.000000e+00 : f32
    %broadcast_in_dim3A_5 = vector.broadcast %broadcast_in_dim3A_4 : f32 to vector<16xf32>
    %swap3A_6 = arith.constant 16 : index
    %swap3A_7 = tpu.vector_load %arg5[%swap3A_6] {strides = array<i32>} : memref<128xf32, #tpu.memory_space<vmem>>, vector<16xf32>,
    %swap3A_8 = vector.shape_cast %swap3A_7 : vector<16xf32> to vector<16xf32>
    %swap3A_9 = vector.shape_cast %broadcast_in_dim3A_5 : vector<16xf32> to vector<16xf32>
    tpu.vector_store %arg5[%swap3A_6], %swap3A_9 {strides = array<i32>} : memref<128xf32, #tpu.memory_space<vmem>>, vector<16xf32>,
    %broadcast_in_dim3A_10 = arith.constant 1.000000e+00 : f32
    %broadcast_in_dim3A_11 = vector.broadcast %broadcast_in_dim3A_10 : f32 to vector<16xf32>
    %swap3A_12 = arith.constant 32 : index
    %swap3A_13 = tpu.vector_load %arg5[%swap3A_12] {strides = array<i32>} : memref<128xf32, #tpu.memory_space<vmem>>, vector<16xf32>,
    %swap3A_14 = vector.shape_cast %swap3A_13 : vector<16xf32> to vector<16xf32>
    %swap3A_15 = vector.shape_cast %broadcast_in_dim3A_11 : vector<16xf32> to vector<16xf32>
    tpu.vector_store %arg5[%swap3A_12], %swap3A_15 {strides = array<i32>} : memref<128xf32, #tpu.memory_space<vmem>>, vector<16xf32>,
    %broadcast_in_dim3A_16 = arith.constant 1.000000e+00 : f32
    %broadcast_in_dim3A_17 = vector.broadcast %broadcast_in_dim3A_16 : f32 to vector<16xf32>
    %swap3A_18 = arith.constant 48 : index
    %swap3A_19 = tpu.vector_load %arg5[%swap3A_18] {strides = array<i32>} : memref<128xf32, #tpu.memory_space<vmem>>, vector<16xf32>,
    %swap3A_20 = vector.shape_cast %swap3A_19 : vector<16xf32> to vector<16xf32>
    %swap3A_21 = vector.shape_cast %broadcast_in_dim3A_17 : vector<16xf32> to vector<16xf32>
    tpu.vector_store %arg5[%swap3A_18], %swap3A_21 {strides = array<i32>} : memref<128xf32, #tpu.memory_space<vmem>>, vector<16xf32>,
    %broadcast_in_dim3A_22 = arith.constant 1.000000e+00 : f32
    %broadcast_in_dim3A_23 = vector.broadcast %broadcast_in_dim3A_22 : f32 to vector<16xf32>
    %swap3A_24 = arith.constant 64 : index
    %swap3A_25 = tpu.vector_load %arg5[%swap3A_24] {strides = array<i32>} : memref<128xf32, #tpu.memory_space<vmem>>, vector<16xf32>,
    %swap3A_26 = vector.shape_cast %swap3A_25 : vector<16xf32> to vector<16xf32>
    %swap3A_27 = vector.shape_cast %broadcast_in_dim3A_23 : vector<16xf32> to vector<16xf32>
    tpu.vector_store %arg5[%swap3A_24], %swap3A_27 {strides = array<i32>} : memref<128xf32, #tpu.memory_space<vmem>>, vector<16xf32>,
    %broadcast_in_dim3A_28 = arith.constant 1.000000e+00 : f32
    %broadcast_in_dim3A_29 = vector.broadcast %broadcast_in_dim3A_28 : f32 to vector<16xf32>
    %swap3A_30 = arith.constant 80 : index
    %swap3A_31 = tpu.vector_load %arg5[%swap3A_30] {strides = array<i32>} : memref<128xf32, #tpu.memory_space<vmem>>, vector<16xf32>,
    %swap3A_32 = vector.shape_cast %swap3A_31 : vector<16xf32> to vector<16xf32>
    %swap3A_33 = vector.shape_cast %broadcast_in_dim3A_29 : vector<16xf32> to vector<16xf32>
    tpu.vector_store %arg5[%swap3A_30], %swap3A_33 {strides = array<i32>} : memref<128xf32, #tpu.memory_space<vmem>>, vector<16xf32>,
    %broadcast_in_dim3A_34 = arith.constant 1.000000e+00 : f32
    %broadcast_in_dim3A_35 = vector.broadcast %broadcast_in_dim3A_34 : f32 to vector<16xf32>
    %swap3A_36 = arith.constant 96 : index
    %swap3A_37 = tpu.vector_load %arg5[%swap3A_36] {strides = array<i32>} : memref<128xf32, #tpu.memory_space<vmem>>, vector<16xf32>,
    %swap3A_38 = vector.shape_cast %swap3A_37 : vector<16xf32> to vector<16xf32>
    %swap3A_39 = vector.shape_cast %broadcast_in_dim3A_35 : vector<16xf32> to vector<16xf32>
    tpu.vector_store %arg5[%swap3A_36], %swap3A_39 {strides = array<i32>} : memref<128xf32, #tpu.memory_space<vmem>>, vector<16xf32>,
    %broadcast_in_dim3A_40 = arith.constant 1.000000e+00 : f32
    %broadcast_in_dim3A_41 = vector.broadcast %broadcast_in_dim3A_40 : f32 to vector<16xf32>
    %swap3A_42 = arith.constant 112 : index
    %swap3A_43 = tpu.vector_load %arg5[%swap3A_42] {strides = array<i32>} : memref<128xf32, #tpu.memory_space<vmem>>, vector<16xf32>,
    %swap3A_44 = vector.shape_cast %swap3A_43 : vector<16xf32> to vector<16xf32>
    %swap3A_45 = vector.shape_cast %broadcast_in_dim3A_41 : vector<16xf32> to vector<16xf32>
    tpu.vector_store %arg5[%swap3A_42], %swap3A_45 {strides = array<i32>} : memref<128xf32, #tpu.memory_space<vmem>>, vector<16xf32>,
    %scan3A = arith.constant 0 : i32
    %scan3A_46 = arith.constant 0 : i32
    %scan3A_47 = arith.constant 40 : i32
    %scan3A_48 = arith.addi %scan3A_46, %scan3A_47 : i32
    %scan3A_49 = arith.constant 1 : i32
    scf.for %scan3A_76 = %scan3A_46 to %scan3A_48 step %scan3A_49  : i32 {
      %broadcast_in_dim3A_77 = arith.constant 0.000000e+00 : f32
      %broadcast_in_dim3A_78 = vector.broadcast %broadcast_in_dim3A_77 : f32 to vector<16xf32>
      %mul3A_79 = arith.constant 16 : i32
      %mul3A_80 = arith.muli %scan3A_76, %mul3A_79 : i32
      %swap3A_81 = arith.index_cast %mul3A_80 : i32 to index
      %swap3A_82 = tpu.vector_load %arg6[%swap3A_81] {strides = array<i32>} : memref<648xf32, #tpu.memory_space<vmem>>, vector<16xf32>,
      %swap3A_83 = vector.shape_cast %swap3A_82 : vector<16xf32> to vector<16xf32>
      %swap3A_84 = vector.shape_cast %broadcast_in_dim3A_78 : vector<16xf32> to vector<16xf32>
      tpu.vector_store %arg6[%swap3A_81], %swap3A_84 {strides = array<i32>} : memref<648xf32, #tpu.memory_space<vmem>>, vector<16xf32>,
    }
    %scan3A_50 = arith.constant 40 : i32
    %mul3A = arith.constant 632 : i32
    %mul3A_51 = arith.muli %arg1, %mul3A : i32
    "tpu.region"() ({
      %run_scoped3A = tpu.sem_alloc : memref<!tpu.dma_semaphore, #tpu.memory_space<semaphore_mem>>
      %dma_start3A = arith.constant 0 : i32
      %dma_start3A_76 = tpu.memref_slice %arg6[%dma_start3A] : memref<648xf32, #tpu.memory_space<vmem>> -> memref<632xf32, #tpu.memory_space<vmem>>
      %dma_start3A_77 = tpu.memref_slice %arg7[%mul3A_51] : memref<10112xf32, #tpu.memory_space<vmem_shared>> -> memref<632xf32, #tpu.memory_space<vmem_shared>>
      %dma_start3A_78 = tpu.memref_slice %arg7[%mul3A_51] : memref<10112xf32, #tpu.memory_space<vmem_shared>> -> memref<632xf32, #tpu.memory_space<vmem_shared>>
      %dma_start3A_79 = arith.constant 0 : i32
      %dma_start3A_80 = tpu.memref_slice %arg6[%dma_start3A_79] : memref<648xf32, #tpu.memory_space<vmem>> -> memref<632xf32, #tpu.memory_space<vmem>>
      tpu.enqueue_dma source(%dma_start3A_80 : memref<632xf32, #tpu.memory_space<vmem>>) target(%dma_start3A_78 : memref<632xf32, #tpu.memory_space<vmem_shared>>) target_semaphore(%run_scoped3A : memref<!tpu.dma_semaphore, #tpu.memory_space<semaphore_mem>>)
      %dma_wait3A = arith.constant 0 : i32
      %dma_wait3A_81 = tpu.memref_slice %arg6[%dma_wait3A] : memref<648xf32, #tpu.memory_space<vmem>> -> memref<632xf32, #tpu.memory_space<vmem>>
      %dma_wait3A_82 = tpu.memref_slice %arg7[%mul3A_51] : memref<10112xf32, #tpu.memory_space<vmem_shared>> -> memref<632xf32, #tpu.memory_space<vmem_shared>>
      %dma_wait3A_83 = tpu.memref_slice %arg7[%mul3A_51] : memref<10112xf32, #tpu.memory_space<vmem_shared>> -> memref<632xf32, #tpu.memory_space<vmem_shared>>
      %dma_wait3A_84 = arith.constant 0 : i32
      %dma_wait3A_85 = tpu.memref_slice %arg6[%dma_wait3A_84] : memref<648xf32, #tpu.memory_space<vmem>> -> memref<632xf32, #tpu.memory_space<vmem>>
      tpu.wait_dma2 semaphore(%run_scoped3A : memref<!tpu.dma_semaphore, #tpu.memory_space<semaphore_mem>>) src(%dma_wait3A_85 : memref<632xf32, #tpu.memory_space<vmem>>) dst(%dma_wait3A_83 : memref<632xf32, #tpu.memory_space<vmem_shared>>)
      tpu.yield
    }) : () -> ()
    %eq3A = arith.constant 0 : i32
    %eq3A_52 = arith.cmpi eq, %arg0, %eq3A : i32
    %convert_element_type3A = arith.extui %eq3A_52 : i1 to i32
    %cond3A = arith.constant 0 : i32
    %cond3A_53 = arith.cmpi ne, %convert_element_type3A, %cond3A : i32
    scf.if %cond3A_53 {
      %mul3A_76 = arith.constant 84 : i32
      %mul3A_77 = arith.muli %arg1, %mul3A_76 : i32
      "tpu.region"() ({
        %run_scoped3A = tpu.sem_alloc : memref<!tpu.dma_semaphore, #tpu.memory_space<semaphore_mem>>
        %dma_start3A = arith.constant 0 : i32
        %dma_start3A_78 = arith.constant 0 : i32
        %dma_start3A_79 = tpu.memref_slice %arg4[%dma_start3A, %dma_start3A_78] : memref<84x128xi32, #tpu.memory_space<vmem>> -> memref<84x128xi32, #tpu.memory_space<vmem>>
        %dma_start3A_80 = arith.constant 0 : i32
        %dma_start3A_81 = tpu.memref_slice %arg2[%mul3A_77, %dma_start3A_80] : memref<2560x128xi32, #tpu.memory_space<hbm>> -> memref<84x128xi32, #tpu.memory_space<hbm>>
        %dma_start3A_82 = arith.constant 0 : i32
        %dma_start3A_83 = arith.constant 0 : i32
        %dma_start3A_84 = tpu.memref_slice %arg4[%dma_start3A_82, %dma_start3A_83] : memref<84x128xi32, #tpu.memory_space<vmem>> -> memref<84x128xi32, #tpu.memory_space<vmem>>
        %dma_start3A_85 = arith.constant 0 : i32
        %dma_start3A_86 = tpu.memref_slice %arg2[%mul3A_77, %dma_start3A_85] : memref<2560x128xi32, #tpu.memory_space<hbm>> -> memref<84x128xi32, #tpu.memory_space<hbm>>
        tpu.enqueue_dma source(%dma_start3A_86 : memref<84x128xi32, #tpu.memory_space<hbm>>) target(%dma_start3A_84 : memref<84x128xi32, #tpu.memory_space<vmem>>) target_semaphore(%run_scoped3A : memref<!tpu.dma_semaphore, #tpu.memory_space<semaphore_mem>>)
        %dma_wait3A = arith.constant 0 : i32
        %dma_wait3A_87 = arith.constant 0 : i32
        %dma_wait3A_88 = tpu.memref_slice %arg4[%dma_wait3A, %dma_wait3A_87] : memref<84x128xi32, #tpu.memory_space<vmem>> -> memref<84x128xi32, #tpu.memory_space<vmem>>
        %dma_wait3A_89 = arith.constant 0 : i32
        %dma_wait3A_90 = tpu.memref_slice %arg2[%mul3A_77, %dma_wait3A_89] : memref<2560x128xi32, #tpu.memory_space<hbm>> -> memref<84x128xi32, #tpu.memory_space<hbm>>
        %dma_wait3A_91 = arith.constant 0 : i32
        %dma_wait3A_92 = arith.constant 0 : i32
        %dma_wait3A_93 = tpu.memref_slice %arg4[%dma_wait3A_91, %dma_wait3A_92] : memref<84x128xi32, #tpu.memory_space<vmem>> -> memref<84x128xi32, #tpu.memory_space<vmem>>
        %dma_wait3A_94 = arith.constant 0 : i32
        %dma_wait3A_95 = tpu.memref_slice %arg2[%mul3A_77, %dma_wait3A_94] : memref<2560x128xi32, #tpu.memory_space<hbm>> -> memref<84x128xi32, #tpu.memory_space<hbm>>
        tpu.wait_dma2 semaphore(%run_scoped3A : memref<!tpu.dma_semaphore, #tpu.memory_space<semaphore_mem>>) src(%dma_wait3A_95 : memref<84x128xi32, #tpu.memory_space<hbm>>) dst(%dma_wait3A_93 : memref<84x128xi32, #tpu.memory_space<vmem>>)
        tpu.yield
      }) : () -> ()
    } else {
    }
    %eq3A_54 = arith.constant 1 : i32
    %eq3A_55 = arith.cmpi eq, %arg0, %eq3A_54 : i32
    %convert_element_type3A_56 = arith.extui %eq3A_55 : i1 to i32
    %cond3A_57 = arith.constant 0 : i32
    %cond3A_58 = arith.cmpi ne, %convert_element_type3A_56, %cond3A_57 : i32
    scf.if %cond3A_58 {
      %mul3A_76 = arith.constant 76 : i32
      %mul3A_77 = arith.muli %arg1, %mul3A_76 : i32
      %add3A_78 = arith.constant 1344 : i32
      %add3A_79 = arith.addi %add3A_78, %mul3A_77 : i32
      "tpu.region"() ({
        %run_scoped3A = tpu.sem_alloc : memref<!tpu.dma_semaphore, #tpu.memory_space<semaphore_mem>>
        %dma_start3A = arith.constant 0 : i32
        %dma_start3A_80 = arith.constant 0 : i32
        %dma_start3A_81 = tpu.memref_slice %arg4[%dma_start3A, %dma_start3A_80] : memref<84x128xi32, #tpu.memory_space<vmem>> -> memref<76x128xi32, #tpu.memory_space<vmem>>
        %dma_start3A_82 = arith.constant 0 : i32
        %dma_start3A_83 = tpu.memref_slice %arg2[%add3A_79, %dma_start3A_82] : memref<2560x128xi32, #tpu.memory_space<hbm>> -> memref<76x128xi32, #tpu.memory_space<hbm>>
        %dma_start3A_84 = arith.constant 0 : i32
        %dma_start3A_85 = arith.constant 0 : i32
        %dma_start3A_86 = tpu.memref_slice %arg4[%dma_start3A_84, %dma_start3A_85] : memref<84x128xi32, #tpu.memory_space<vmem>> -> memref<76x128xi32, #tpu.memory_space<vmem>>
        %dma_start3A_87 = arith.constant 0 : i32
        %dma_start3A_88 = tpu.memref_slice %arg2[%add3A_79, %dma_start3A_87] : memref<2560x128xi32, #tpu.memory_space<hbm>> -> memref<76x128xi32, #tpu.memory_space<hbm>>
        tpu.enqueue_dma source(%dma_start3A_88 : memref<76x128xi32, #tpu.memory_space<hbm>>) target(%dma_start3A_86 : memref<76x128xi32, #tpu.memory_space<vmem>>) target_semaphore(%run_scoped3A : memref<!tpu.dma_semaphore, #tpu.memory_space<semaphore_mem>>)
        %dma_wait3A = arith.constant 0 : i32
        %dma_wait3A_89 = arith.constant 0 : i32
        %dma_wait3A_90 = tpu.memref_slice %arg4[%dma_wait3A, %dma_wait3A_89] : memref<84x128xi32, #tpu.memory_space<vmem>> -> memref<76x128xi32, #tpu.memory_space<vmem>>
        %dma_wait3A_91 = arith.constant 0 : i32
        %dma_wait3A_92 = tpu.memref_slice %arg2[%add3A_79, %dma_wait3A_91] : memref<2560x128xi32, #tpu.memory_space<hbm>> -> memref<76x128xi32, #tpu.memory_space<hbm>>
        %dma_wait3A_93 = arith.constant 0 : i32
        %dma_wait3A_94 = arith.constant 0 : i32
        %dma_wait3A_95 = tpu.memref_slice %arg4[%dma_wait3A_93, %dma_wait3A_94] : memref<84x128xi32, #tpu.memory_space<vmem>> -> memref<76x128xi32, #tpu.memory_space<vmem>>
        %dma_wait3A_96 = arith.constant 0 : i32
        %dma_wait3A_97 = tpu.memref_slice %arg2[%add3A_79, %dma_wait3A_96] : memref<2560x128xi32, #tpu.memory_space<hbm>> -> memref<76x128xi32, #tpu.memory_space<hbm>>
        tpu.wait_dma2 semaphore(%run_scoped3A : memref<!tpu.dma_semaphore, #tpu.memory_space<semaphore_mem>>) src(%dma_wait3A_97 : memref<76x128xi32, #tpu.memory_space<hbm>>) dst(%dma_wait3A_95 : memref<76x128xi32, #tpu.memory_space<vmem>>)
        tpu.yield
      }) : () -> ()
    } else {
    }
    %barrier3A = arith.constant 0 : index
    tpu.barrier barrier_id(%barrier3A)
    %eq3A_59 = arith.constant 0 : i32
    %eq3A_60 = arith.cmpi eq, %arg0, %eq3A_59 : i32
    %convert_element_type3A_61 = arith.extui %eq3A_60 : i1 to i32
    %cond3A_62 = arith.constant 0 : i32
    %cond3A_63 = arith.cmpi ne, %convert_element_type3A_61, %cond3A_62 : i32
    scf.if %cond3A_63 {
      %scan3A_76 = arith.constant 0 : i32
      %scan3A_77 = arith.constant 0 : i32
      %scan3A_78 = arith.constant 84 : i32
      %scan3A_79 = arith.addi %scan3A_77, %scan3A_78 : i32
      %scan3A_80 = arith.constant 1 : i32
      scf.for %scan3A_88 = %scan3A_77 to %scan3A_79 step %scan3A_80  : i32 {
        %dma_start3A = arith.constant 0 : i32
        %dma_start3A_89 = tpu.memref_slice %arg4[%scan3A_88, %dma_start3A] : memref<84x128xi32, #tpu.memory_space<vmem>> -> memref<1x128xi32, #tpu.memory_space<vmem>>
        %dma_start3A_90 = tpu.memref_squeeze %dma_start3A_89 : memref<1x128xi32, #tpu.memory_space<vmem>> -> memref<128xi32, #tpu.memory_space<vmem>>
        %dma_start3A_91 = arith.constant 0 : i32
        %dma_start3A_92 = tpu.memref_slice %arg7[%dma_start3A_91] : memref<10112xf32, #tpu.memory_space<vmem_shared>> -> memref<10112xf32, #tpu.memory_space<vmem_shared>>
        tpu.enqueue_indirect_dma source(%arg5 : memref<128xf32, #tpu.memory_space<vmem>>) target(%dma_start3A_92 : memref<10112xf32, #tpu.memory_space<vmem_shared>>) offsets(%dma_start3A_90 : memref<128xi32, #tpu.memory_space<vmem>>) semaphore(%arg8 : memref<!tpu.dma_semaphore, #tpu.memory_space<semaphore_mem>>) {add = true}
      }
      %scan3A_81 = arith.constant 84 : i32
      %scan3A_82 = arith.constant 0 : i32
      %scan3A_83 = arith.constant 0 : i32
      %scan3A_84 = arith.constant 84 : i32
      %scan3A_85 = arith.addi %scan3A_83, %scan3A_84 : i32
      %scan3A_86 = arith.constant 1 : i32
      scf.for %scan3A_88 = %scan3A_83 to %scan3A_85 step %scan3A_86  : i32 {
        %dma_wait3A = arith.constant 0 : i32
        %dma_wait3A_89 = arith.constant 0 : i32
        %dma_wait3A_90 = tpu.memref_slice %arg4[%dma_wait3A, %dma_wait3A_89] : memref<84x128xi32, #tpu.memory_space<vmem>> -> memref<1x128xi32, #tpu.memory_space<vmem>>
        %dma_wait3A_91 = tpu.memref_squeeze %dma_wait3A_90 : memref<1x128xi32, #tpu.memory_space<vmem>> -> memref<128xi32, #tpu.memory_space<vmem>>
        %dma_wait3A_92 = arith.constant 0 : i32
        %dma_wait3A_93 = tpu.memref_slice %arg7[%dma_wait3A_92] : memref<10112xf32, #tpu.memory_space<vmem_shared>> -> memref<10112xf32, #tpu.memory_space<vmem_shared>>
        tpu.wait_indirect_dma semaphore(%arg8 : memref<!tpu.dma_semaphore, #tpu.memory_space<semaphore_mem>>) src(%arg5 : memref<128xf32, #tpu.memory_space<vmem>>) dst(%dma_wait3A_93 : memref<10112xf32, #tpu.memory_space<vmem_shared>>)
      }
      %scan3A_87 = arith.constant 84 : i32
    } else {
    }
    %eq3A_64 = arith.constant 1 : i32
    %eq3A_65 = arith.cmpi eq, %arg0, %eq3A_64 : i32
    %convert_element_type3A_66 = arith.extui %eq3A_65 : i1 to i32
    %cond3A_67 = arith.constant 0 : i32
    %cond3A_68 = arith.cmpi ne, %convert_element_type3A_66, %cond3A_67 : i32
    scf.if %cond3A_68 {
      %scan3A_76 = arith.constant 0 : i32
      %scan3A_77 = arith.constant 0 : i32
      %scan3A_78 = arith.constant 76 : i32
      %scan3A_79 = arith.addi %scan3A_77, %scan3A_78 : i32
      %scan3A_80 = arith.constant 1 : i32
      scf.for %scan3A_88 = %scan3A_77 to %scan3A_79 step %scan3A_80  : i32 {
        %dma_start3A = arith.constant 0 : i32
        %dma_start3A_89 = tpu.memref_slice %arg4[%scan3A_88, %dma_start3A] : memref<84x128xi32, #tpu.memory_space<vmem>> -> memref<1x128xi32, #tpu.memory_space<vmem>>
        %dma_start3A_90 = tpu.memref_squeeze %dma_start3A_89 : memref<1x128xi32, #tpu.memory_space<vmem>> -> memref<128xi32, #tpu.memory_space<vmem>>
        %dma_start3A_91 = arith.constant 0 : i32
        %dma_start3A_92 = tpu.memref_slice %arg7[%dma_start3A_91] : memref<10112xf32, #tpu.memory_space<vmem_shared>> -> memref<10112xf32, #tpu.memory_space<vmem_shared>>
        tpu.enqueue_indirect_dma source(%arg5 : memref<128xf32, #tpu.memory_space<vmem>>) target(%dma_start3A_92 : memref<10112xf32, #tpu.memory_space<vmem_shared>>) offsets(%dma_start3A_90 : memref<128xi32, #tpu.memory_space<vmem>>) semaphore(%arg8 : memref<!tpu.dma_semaphore, #tpu.memory_space<semaphore_mem>>) {add = true}
      }
      %scan3A_81 = arith.constant 76 : i32
      %scan3A_82 = arith.constant 0 : i32
      %scan3A_83 = arith.constant 0 : i32
      %scan3A_84 = arith.constant 76 : i32
      %scan3A_85 = arith.addi %scan3A_83, %scan3A_84 : i32
      %scan3A_86 = arith.constant 1 : i32
      scf.for %scan3A_88 = %scan3A_83 to %scan3A_85 step %scan3A_86  : i32 {
        %dma_wait3A = arith.constant 0 : i32
        %dma_wait3A_89 = arith.constant 0 : i32
        %dma_wait3A_90 = tpu.memref_slice %arg4[%dma_wait3A, %dma_wait3A_89] : memref<84x128xi32, #tpu.memory_space<vmem>> -> memref<1x128xi32, #tpu.memory_space<vmem>>
        %dma_wait3A_91 = tpu.memref_squeeze %dma_wait3A_90 : memref<1x128xi32, #tpu.memory_space<vmem>> -> memref<128xi32, #tpu.memory_space<vmem>>
        %dma_wait3A_92 = arith.constant 0 : i32
        %dma_wait3A_93 = tpu.memref_slice %arg7[%dma_wait3A_92] : memref<10112xf32, #tpu.memory_space<vmem_shared>> -> memref<10112xf32, #tpu.memory_space<vmem_shared>>
        tpu.wait_indirect_dma semaphore(%arg8 : memref<!tpu.dma_semaphore, #tpu.memory_space<semaphore_mem>>) src(%arg5 : memref<128xf32, #tpu.memory_space<vmem>>) dst(%dma_wait3A_93 : memref<10112xf32, #tpu.memory_space<vmem_shared>>)
      }
      %scan3A_87 = arith.constant 76 : i32
    } else {
    }
    %barrier3A_69 = arith.constant 0 : index
    tpu.barrier barrier_id(%barrier3A_69)
    %mul3A_70 = arith.constant 632 : i32
    %mul3A_71 = arith.muli %arg1, %mul3A_70 : i32
    "tpu.region"() ({
      %run_scoped3A = tpu.sem_alloc : memref<!tpu.dma_semaphore, #tpu.memory_space<semaphore_mem>>
      %dma_start3A = arith.constant 0 : i32
      %dma_start3A_76 = tpu.memref_slice %arg6[%dma_start3A] : memref<648xf32, #tpu.memory_space<vmem>> -> memref<632xf32, #tpu.memory_space<vmem>>
      %dma_start3A_77 = tpu.memref_slice %arg7[%mul3A_71] : memref<10112xf32, #tpu.memory_space<vmem_shared>> -> memref<632xf32, #tpu.memory_space<vmem_shared>>
      %dma_start3A_78 = arith.constant 0 : i32
      %dma_start3A_79 = tpu.memref_slice %arg6[%dma_start3A_78] : memref<648xf32, #tpu.memory_space<vmem>> -> memref<632xf32, #tpu.memory_space<vmem>>
      %dma_start3A_80 = tpu.memref_slice %arg7[%mul3A_71] : memref<10112xf32, #tpu.memory_space<vmem_shared>> -> memref<632xf32, #tpu.memory_space<vmem_shared>>
      tpu.enqueue_dma source(%dma_start3A_80 : memref<632xf32, #tpu.memory_space<vmem_shared>>) target(%dma_start3A_79 : memref<632xf32, #tpu.memory_space<vmem>>) target_semaphore(%run_scoped3A : memref<!tpu.dma_semaphore, #tpu.memory_space<semaphore_mem>>)
      %dma_wait3A = arith.constant 0 : i32
      %dma_wait3A_81 = tpu.memref_slice %arg6[%dma_wait3A] : memref<648xf32, #tpu.memory_space<vmem>> -> memref<632xf32, #tpu.memory_space<vmem>>
      %dma_wait3A_82 = tpu.memref_slice %arg7[%mul3A_71] : memref<10112xf32, #tpu.memory_space<vmem_shared>> -> memref<632xf32, #tpu.memory_space<vmem_shared>>
      %dma_wait3A_83 = arith.constant 0 : i32
      %dma_wait3A_84 = tpu.memref_slice %arg6[%dma_wait3A_83] : memref<648xf32, #tpu.memory_space<vmem>> -> memref<632xf32, #tpu.memory_space<vmem>>
      %dma_wait3A_85 = tpu.memref_slice %arg7[%mul3A_71] : memref<10112xf32, #tpu.memory_space<vmem_shared>> -> memref<632xf32, #tpu.memory_space<vmem_shared>>
      tpu.wait_dma2 semaphore(%run_scoped3A : memref<!tpu.dma_semaphore, #tpu.memory_space<semaphore_mem>>) src(%dma_wait3A_85 : memref<632xf32, #tpu.memory_space<vmem_shared>>) dst(%dma_wait3A_84 : memref<632xf32, #tpu.memory_space<vmem>>)
      tpu.yield
    }) : () -> ()
    %mul3A_72 = arith.constant 10112 : i32
    %mul3A_73 = arith.muli %arg0, %mul3A_72 : i32
    %mul3A_74 = arith.constant 632 : i32
    %mul3A_75 = arith.muli %arg1, %mul3A_74 : i32
    %add3A = arith.addi %mul3A_73, %mul3A_75 : i32
    "tpu.region"() ({
      %run_scoped3A = tpu.sem_alloc : memref<!tpu.dma_semaphore, #tpu.memory_space<semaphore_mem>>
      %dma_start3A = arith.constant 0 : i32
      %dma_start3A_76 = tpu.memref_slice %arg6[%dma_start3A] : memref<648xf32, #tpu.memory_space<vmem>> -> memref<632xf32, #tpu.memory_space<vmem>>
      %dma_start3A_77 = tpu.memref_slice %arg3[%add3A] : memref<20224xf32, #tpu.memory_space<hbm>> -> memref<632xf32, #tpu.memory_space<hbm>>
      %dma_start3A_78 = tpu.memref_slice %arg3[%add3A] : memref<20224xf32, #tpu.memory_space<hbm>> -> memref<632xf32, #tpu.memory_space<hbm>>
      %dma_start3A_79 = arith.constant 0 : i32
      %dma_start3A_80 = tpu.memref_slice %arg6[%dma_start3A_79] : memref<648xf32, #tpu.memory_space<vmem>> -> memref<632xf32, #tpu.memory_space<vmem>>
      tpu.enqueue_dma source(%dma_start3A_80 : memref<632xf32, #tpu.memory_space<vmem>>) target(%dma_start3A_78 : memref<632xf32, #tpu.memory_space<hbm>>) target_semaphore(%run_scoped3A : memref<!tpu.dma_semaphore, #tpu.memory_space<semaphore_mem>>)
      %dma_wait3A = arith.constant 0 : i32
      %dma_wait3A_81 = tpu.memref_slice %arg6[%dma_wait3A] : memref<648xf32, #tpu.memory_space<vmem>> -> memref<632xf32, #tpu.memory_space<vmem>>
      %dma_wait3A_82 = tpu.memref_slice %arg3[%add3A] : memref<20224xf32, #tpu.memory_space<hbm>> -> memref<632xf32, #tpu.memory_space<hbm>>
      %dma_wait3A_83 = tpu.memref_slice %arg3[%add3A] : memref<20224xf32, #tpu.memory_space<hbm>> -> memref<632xf32, #tpu.memory_space<hbm>>
      %dma_wait3A_84 = arith.constant 0 : i32
      %dma_wait3A_85 = tpu.memref_slice %arg6[%dma_wait3A_84] : memref<648xf32, #tpu.memory_space<vmem>> -> memref<632xf32, #tpu.memory_space<vmem>>
      tpu.wait_dma2 semaphore(%run_scoped3A : memref<!tpu.dma_semaphore, #tpu.memory_space<semaphore_mem>>) src(%dma_wait3A_85 : memref<632xf32, #tpu.memory_space<vmem>>) dst(%dma_wait3A_83 : memref<632xf32, #tpu.memory_space<hbm>>)
      tpu.yield
    }) : () -> ()
    return
  }
}

#map = affine_map<(d0, d1) -> (0, 0)>
module attributes {stable_mosaic.version = 14 : i64} {
  func.func @_seg_body(%arg0: i32, %arg1: i32, %arg2: memref<2560x128xi32, #tpu.memory_space<hbm>>, %arg3: memref<2560x128xi32, #tpu.memory_space<hbm>>, %arg4: memref<10112x32xbf16, #tpu.memory_space<hbm>>, %arg5: memref<10112x32xbf16, #tpu.memory_space<hbm>>, %arg6: memref<20224x32xbf16, #tpu.memory_space<hbm>>, %arg7: memref<84x128xi32, #tpu.memory_space<vmem>>, %arg8: memref<84x128xi32, #tpu.memory_space<vmem>>, %arg9: memref<4x128x32xbf16, #tpu.memory_space<vmem>>, %arg10: memref<10112x32xbf16, #tpu.memory_space<vmem_shared>>, %arg11: memref<10112x32xbf16, #tpu.memory_space<vmem_shared>>, %arg12: memref<4x!tpu.dma_semaphore, #tpu.memory_space<semaphore_mem>>) attributes {dimension_semantics = [#tpu.dimension_semantics<core_parallel>, #tpu.dimension_semantics<subcore_parallel>], iteration_bounds = array<i64: 2, 16>, scalar_prefetch = 0 : i64, scratch_operands = 6 : i64, tpu.core_type = #tpu.core_type<sc_vector_subcore>, window_params = [{transform_indices = #map}, {transform_indices = #map}, {transform_indices = #map}, {transform_indices = #map}, {transform_indices = #map}]} {
    %mul3A = arith.constant 632 : i32
    %mul3A_0 = arith.muli %arg1, %mul3A : i32
    %mul3A_1 = arith.constant 632 : i32
    %mul3A_2 = arith.muli %arg1, %mul3A_1 : i32
    "tpu.region"() ({
      %run_scoped3A = tpu.sem_alloc : memref<!tpu.dma_semaphore, #tpu.memory_space<semaphore_mem>>
      %dma_start3A = arith.constant 0 : i32
      %dma_start3A_31 = tpu.memref_slice %arg10[%mul3A_2, %dma_start3A] : memref<10112x32xbf16, #tpu.memory_space<vmem_shared>> -> memref<632x32xbf16, #tpu.memory_space<vmem_shared>>
      %dma_start3A_32 = arith.constant 0 : i32
      %dma_start3A_33 = tpu.memref_slice %arg5[%mul3A_0, %dma_start3A_32] : memref<10112x32xbf16, #tpu.memory_space<hbm>> -> memref<632x32xbf16, #tpu.memory_space<hbm>>
      tpu.enqueue_dma source(%dma_start3A_33 : memref<632x32xbf16, #tpu.memory_space<hbm>>) target(%dma_start3A_31 : memref<632x32xbf16, #tpu.memory_space<vmem_shared>>) target_semaphore(%run_scoped3A : memref<!tpu.dma_semaphore, #tpu.memory_space<semaphore_mem>>)
      %dma_wait3A = arith.constant 0 : i32
      %dma_wait3A_34 = tpu.memref_slice %arg10[%mul3A_2, %dma_wait3A] : memref<10112x32xbf16, #tpu.memory_space<vmem_shared>> -> memref<632x32xbf16, #tpu.memory_space<vmem_shared>>
      %dma_wait3A_35 = arith.constant 0 : i32
      %dma_wait3A_36 = tpu.memref_slice %arg5[%mul3A_0, %dma_wait3A_35] : memref<10112x32xbf16, #tpu.memory_space<hbm>> -> memref<632x32xbf16, #tpu.memory_space<hbm>>
      tpu.wait_dma2 semaphore(%run_scoped3A : memref<!tpu.dma_semaphore, #tpu.memory_space<semaphore_mem>>) src(%dma_wait3A_36 : memref<632x32xbf16, #tpu.memory_space<hbm>>) dst(%dma_wait3A_34 : memref<632x32xbf16, #tpu.memory_space<vmem_shared>>)
      tpu.yield
    }) : () -> ()
    %mul3A_3 = arith.constant 632 : i32
    %mul3A_4 = arith.muli %arg1, %mul3A_3 : i32
    %mul3A_5 = arith.constant 632 : i32
    %mul3A_6 = arith.muli %arg1, %mul3A_5 : i32
    "tpu.region"() ({
      %run_scoped3A = tpu.sem_alloc : memref<!tpu.dma_semaphore, #tpu.memory_space<semaphore_mem>>
      %dma_start3A = arith.constant 0 : i32
      %dma_start3A_31 = tpu.memref_slice %arg11[%mul3A_6, %dma_start3A] : memref<10112x32xbf16, #tpu.memory_space<vmem_shared>> -> memref<632x32xbf16, #tpu.memory_space<vmem_shared>>
      %dma_start3A_32 = arith.constant 0 : i32
      %dma_start3A_33 = tpu.memref_slice %arg4[%mul3A_4, %dma_start3A_32] : memref<10112x32xbf16, #tpu.memory_space<hbm>> -> memref<632x32xbf16, #tpu.memory_space<hbm>>
      tpu.enqueue_dma source(%dma_start3A_33 : memref<632x32xbf16, #tpu.memory_space<hbm>>) target(%dma_start3A_31 : memref<632x32xbf16, #tpu.memory_space<vmem_shared>>) target_semaphore(%run_scoped3A : memref<!tpu.dma_semaphore, #tpu.memory_space<semaphore_mem>>)
      %dma_wait3A = arith.constant 0 : i32
      %dma_wait3A_34 = tpu.memref_slice %arg11[%mul3A_6, %dma_wait3A] : memref<10112x32xbf16, #tpu.memory_space<vmem_shared>> -> memref<632x32xbf16, #tpu.memory_space<vmem_shared>>
      %dma_wait3A_35 = arith.constant 0 : i32
      %dma_wait3A_36 = tpu.memref_slice %arg4[%mul3A_4, %dma_wait3A_35] : memref<10112x32xbf16, #tpu.memory_space<hbm>> -> memref<632x32xbf16, #tpu.memory_space<hbm>>
      tpu.wait_dma2 semaphore(%run_scoped3A : memref<!tpu.dma_semaphore, #tpu.memory_space<semaphore_mem>>) src(%dma_wait3A_36 : memref<632x32xbf16, #tpu.memory_space<hbm>>) dst(%dma_wait3A_34 : memref<632x32xbf16, #tpu.memory_space<vmem_shared>>)
      tpu.yield
    }) : () -> ()
    %eq3A = arith.constant 0 : i32
    %eq3A_7 = arith.cmpi eq, %arg0, %eq3A : i32
    %convert_element_type3A = arith.extui %eq3A_7 : i1 to i32
    %cond3A = arith.constant 0 : i32
    %cond3A_8 = arith.cmpi ne, %convert_element_type3A, %cond3A : i32
    scf.if %cond3A_8 {
      %mul3A_31 = arith.constant 84 : i32
      %mul3A_32 = arith.muli %arg1, %mul3A_31 : i32
      "tpu.region"() ({
        %run_scoped3A = tpu.sem_alloc : memref<!tpu.dma_semaphore, #tpu.memory_space<semaphore_mem>>
        %dma_start3A = arith.constant 0 : i32
        %dma_start3A_35 = arith.constant 0 : i32
        %dma_start3A_36 = tpu.memref_slice %arg7[%dma_start3A, %dma_start3A_35] : memref<84x128xi32, #tpu.memory_space<vmem>> -> memref<84x128xi32, #tpu.memory_space<vmem>>
        %dma_start3A_37 = arith.constant 0 : i32
        %dma_start3A_38 = tpu.memref_slice %arg2[%mul3A_32, %dma_start3A_37] : memref<2560x128xi32, #tpu.memory_space<hbm>> -> memref<84x128xi32, #tpu.memory_space<hbm>>
        %dma_start3A_39 = arith.constant 0 : i32
        %dma_start3A_40 = arith.constant 0 : i32
        %dma_start3A_41 = tpu.memref_slice %arg7[%dma_start3A_39, %dma_start3A_40] : memref<84x128xi32, #tpu.memory_space<vmem>> -> memref<84x128xi32, #tpu.memory_space<vmem>>
        %dma_start3A_42 = arith.constant 0 : i32
        %dma_start3A_43 = tpu.memref_slice %arg2[%mul3A_32, %dma_start3A_42] : memref<2560x128xi32, #tpu.memory_space<hbm>> -> memref<84x128xi32, #tpu.memory_space<hbm>>
        tpu.enqueue_dma source(%dma_start3A_43 : memref<84x128xi32, #tpu.memory_space<hbm>>) target(%dma_start3A_41 : memref<84x128xi32, #tpu.memory_space<vmem>>) target_semaphore(%run_scoped3A : memref<!tpu.dma_semaphore, #tpu.memory_space<semaphore_mem>>)
        %dma_wait3A = arith.constant 0 : i32
        %dma_wait3A_44 = arith.constant 0 : i32
        %dma_wait3A_45 = tpu.memref_slice %arg7[%dma_wait3A, %dma_wait3A_44] : memref<84x128xi32, #tpu.memory_space<vmem>> -> memref<84x128xi32, #tpu.memory_space<vmem>>
        %dma_wait3A_46 = arith.constant 0 : i32
        %dma_wait3A_47 = tpu.memref_slice %arg2[%mul3A_32, %dma_wait3A_46] : memref<2560x128xi32, #tpu.memory_space<hbm>> -> memref<84x128xi32, #tpu.memory_space<hbm>>
        %dma_wait3A_48 = arith.constant 0 : i32
        %dma_wait3A_49 = arith.constant 0 : i32
        %dma_wait3A_50 = tpu.memref_slice %arg7[%dma_wait3A_48, %dma_wait3A_49] : memref<84x128xi32, #tpu.memory_space<vmem>> -> memref<84x128xi32, #tpu.memory_space<vmem>>
        %dma_wait3A_51 = arith.constant 0 : i32
        %dma_wait3A_52 = tpu.memref_slice %arg2[%mul3A_32, %dma_wait3A_51] : memref<2560x128xi32, #tpu.memory_space<hbm>> -> memref<84x128xi32, #tpu.memory_space<hbm>>
        tpu.wait_dma2 semaphore(%run_scoped3A : memref<!tpu.dma_semaphore, #tpu.memory_space<semaphore_mem>>) src(%dma_wait3A_52 : memref<84x128xi32, #tpu.memory_space<hbm>>) dst(%dma_wait3A_50 : memref<84x128xi32, #tpu.memory_space<vmem>>)
        tpu.yield
      }) : () -> ()
      %mul3A_33 = arith.constant 84 : i32
      %mul3A_34 = arith.muli %arg1, %mul3A_33 : i32
      "tpu.region"() ({
        %run_scoped3A = tpu.sem_alloc : memref<!tpu.dma_semaphore, #tpu.memory_space<semaphore_mem>>
        %dma_start3A = arith.constant 0 : i32
        %dma_start3A_35 = arith.constant 0 : i32
        %dma_start3A_36 = tpu.memref_slice %arg8[%dma_start3A, %dma_start3A_35] : memref<84x128xi32, #tpu.memory_space<vmem>> -> memref<84x128xi32, #tpu.memory_space<vmem>>
        %dma_start3A_37 = arith.constant 0 : i32
        %dma_start3A_38 = tpu.memref_slice %arg3[%mul3A_34, %dma_start3A_37] : memref<2560x128xi32, #tpu.memory_space<hbm>> -> memref<84x128xi32, #tpu.memory_space<hbm>>
        %dma_start3A_39 = arith.constant 0 : i32
        %dma_start3A_40 = arith.constant 0 : i32
        %dma_start3A_41 = tpu.memref_slice %arg8[%dma_start3A_39, %dma_start3A_40] : memref<84x128xi32, #tpu.memory_space<vmem>> -> memref<84x128xi32, #tpu.memory_space<vmem>>
        %dma_start3A_42 = arith.constant 0 : i32
        %dma_start3A_43 = tpu.memref_slice %arg3[%mul3A_34, %dma_start3A_42] : memref<2560x128xi32, #tpu.memory_space<hbm>> -> memref<84x128xi32, #tpu.memory_space<hbm>>
        tpu.enqueue_dma source(%dma_start3A_43 : memref<84x128xi32, #tpu.memory_space<hbm>>) target(%dma_start3A_41 : memref<84x128xi32, #tpu.memory_space<vmem>>) target_semaphore(%run_scoped3A : memref<!tpu.dma_semaphore, #tpu.memory_space<semaphore_mem>>)
        %dma_wait3A = arith.constant 0 : i32
        %dma_wait3A_44 = arith.constant 0 : i32
        %dma_wait3A_45 = tpu.memref_slice %arg8[%dma_wait3A, %dma_wait3A_44] : memref<84x128xi32, #tpu.memory_space<vmem>> -> memref<84x128xi32, #tpu.memory_space<vmem>>
        %dma_wait3A_46 = arith.constant 0 : i32
        %dma_wait3A_47 = tpu.memref_slice %arg3[%mul3A_34, %dma_wait3A_46] : memref<2560x128xi32, #tpu.memory_space<hbm>> -> memref<84x128xi32, #tpu.memory_space<hbm>>
        %dma_wait3A_48 = arith.constant 0 : i32
        %dma_wait3A_49 = arith.constant 0 : i32
        %dma_wait3A_50 = tpu.memref_slice %arg8[%dma_wait3A_48, %dma_wait3A_49] : memref<84x128xi32, #tpu.memory_space<vmem>> -> memref<84x128xi32, #tpu.memory_space<vmem>>
        %dma_wait3A_51 = arith.constant 0 : i32
        %dma_wait3A_52 = tpu.memref_slice %arg3[%mul3A_34, %dma_wait3A_51] : memref<2560x128xi32, #tpu.memory_space<hbm>> -> memref<84x128xi32, #tpu.memory_space<hbm>>
        tpu.wait_dma2 semaphore(%run_scoped3A : memref<!tpu.dma_semaphore, #tpu.memory_space<semaphore_mem>>) src(%dma_wait3A_52 : memref<84x128xi32, #tpu.memory_space<hbm>>) dst(%dma_wait3A_50 : memref<84x128xi32, #tpu.memory_space<vmem>>)
        tpu.yield
      }) : () -> ()
    } else {
    }
    %eq3A_9 = arith.constant 1 : i32
    %eq3A_10 = arith.cmpi eq, %arg0, %eq3A_9 : i32
    %convert_element_type3A_11 = arith.extui %eq3A_10 : i1 to i32
    %cond3A_12 = arith.constant 0 : i32
    %cond3A_13 = arith.cmpi ne, %convert_element_type3A_11, %cond3A_12 : i32
    scf.if %cond3A_13 {
      %mul3A_31 = arith.constant 76 : i32
      %mul3A_32 = arith.muli %arg1, %mul3A_31 : i32
      %add3A_33 = arith.constant 1344 : i32
      %add3A_34 = arith.addi %add3A_33, %mul3A_32 : i32
      "tpu.region"() ({
        %run_scoped3A = tpu.sem_alloc : memref<!tpu.dma_semaphore, #tpu.memory_space<semaphore_mem>>
        %dma_start3A = arith.constant 0 : i32
        %dma_start3A_39 = arith.constant 0 : i32
        %dma_start3A_40 = tpu.memref_slice %arg7[%dma_start3A, %dma_start3A_39] : memref<84x128xi32, #tpu.memory_space<vmem>> -> memref<76x128xi32, #tpu.memory_space<vmem>>
        %dma_start3A_41 = arith.constant 0 : i32
        %dma_start3A_42 = tpu.memref_slice %arg2[%add3A_34, %dma_start3A_41] : memref<2560x128xi32, #tpu.memory_space<hbm>> -> memref<76x128xi32, #tpu.memory_space<hbm>>
        %dma_start3A_43 = arith.constant 0 : i32
        %dma_start3A_44 = arith.constant 0 : i32
        %dma_start3A_45 = tpu.memref_slice %arg7[%dma_start3A_43, %dma_start3A_44] : memref<84x128xi32, #tpu.memory_space<vmem>> -> memref<76x128xi32, #tpu.memory_space<vmem>>
        %dma_start3A_46 = arith.constant 0 : i32
        %dma_start3A_47 = tpu.memref_slice %arg2[%add3A_34, %dma_start3A_46] : memref<2560x128xi32, #tpu.memory_space<hbm>> -> memref<76x128xi32, #tpu.memory_space<hbm>>
        tpu.enqueue_dma source(%dma_start3A_47 : memref<76x128xi32, #tpu.memory_space<hbm>>) target(%dma_start3A_45 : memref<76x128xi32, #tpu.memory_space<vmem>>) target_semaphore(%run_scoped3A : memref<!tpu.dma_semaphore, #tpu.memory_space<semaphore_mem>>)
        %dma_wait3A = arith.constant 0 : i32
        %dma_wait3A_48 = arith.constant 0 : i32
        %dma_wait3A_49 = tpu.memref_slice %arg7[%dma_wait3A, %dma_wait3A_48] : memref<84x128xi32, #tpu.memory_space<vmem>> -> memref<76x128xi32, #tpu.memory_space<vmem>>
        %dma_wait3A_50 = arith.constant 0 : i32
        %dma_wait3A_51 = tpu.memref_slice %arg2[%add3A_34, %dma_wait3A_50] : memref<2560x128xi32, #tpu.memory_space<hbm>> -> memref<76x128xi32, #tpu.memory_space<hbm>>
        %dma_wait3A_52 = arith.constant 0 : i32
        %dma_wait3A_53 = arith.constant 0 : i32
        %dma_wait3A_54 = tpu.memref_slice %arg7[%dma_wait3A_52, %dma_wait3A_53] : memref<84x128xi32, #tpu.memory_space<vmem>> -> memref<76x128xi32, #tpu.memory_space<vmem>>
        %dma_wait3A_55 = arith.constant 0 : i32
        %dma_wait3A_56 = tpu.memref_slice %arg2[%add3A_34, %dma_wait3A_55] : memref<2560x128xi32, #tpu.memory_space<hbm>> -> memref<76x128xi32, #tpu.memory_space<hbm>>
        tpu.wait_dma2 semaphore(%run_scoped3A : memref<!tpu.dma_semaphore, #tpu.memory_space<semaphore_mem>>) src(%dma_wait3A_56 : memref<76x128xi32, #tpu.memory_space<hbm>>) dst(%dma_wait3A_54 : memref<76x128xi32, #tpu.memory_space<vmem>>)
        tpu.yield
      }) : () -> ()
      %mul3A_35 = arith.constant 76 : i32
      %mul3A_36 = arith.muli %arg1, %mul3A_35 : i32
      %add3A_37 = arith.constant 1344 : i32
      %add3A_38 = arith.addi %add3A_37, %mul3A_36 : i32
      "tpu.region"() ({
        %run_scoped3A = tpu.sem_alloc : memref<!tpu.dma_semaphore, #tpu.memory_space<semaphore_mem>>
        %dma_start3A = arith.constant 0 : i32
        %dma_start3A_39 = arith.constant 0 : i32
        %dma_start3A_40 = tpu.memref_slice %arg8[%dma_start3A, %dma_start3A_39] : memref<84x128xi32, #tpu.memory_space<vmem>> -> memref<76x128xi32, #tpu.memory_space<vmem>>
        %dma_start3A_41 = arith.constant 0 : i32
        %dma_start3A_42 = tpu.memref_slice %arg3[%add3A_38, %dma_start3A_41] : memref<2560x128xi32, #tpu.memory_space<hbm>> -> memref<76x128xi32, #tpu.memory_space<hbm>>
        %dma_start3A_43 = arith.constant 0 : i32
        %dma_start3A_44 = arith.constant 0 : i32
        %dma_start3A_45 = tpu.memref_slice %arg8[%dma_start3A_43, %dma_start3A_44] : memref<84x128xi32, #tpu.memory_space<vmem>> -> memref<76x128xi32, #tpu.memory_space<vmem>>
        %dma_start3A_46 = arith.constant 0 : i32
        %dma_start3A_47 = tpu.memref_slice %arg3[%add3A_38, %dma_start3A_46] : memref<2560x128xi32, #tpu.memory_space<hbm>> -> memref<76x128xi32, #tpu.memory_space<hbm>>
        tpu.enqueue_dma source(%dma_start3A_47 : memref<76x128xi32, #tpu.memory_space<hbm>>) target(%dma_start3A_45 : memref<76x128xi32, #tpu.memory_space<vmem>>) target_semaphore(%run_scoped3A : memref<!tpu.dma_semaphore, #tpu.memory_space<semaphore_mem>>)
        %dma_wait3A = arith.constant 0 : i32
        %dma_wait3A_48 = arith.constant 0 : i32
        %dma_wait3A_49 = tpu.memref_slice %arg8[%dma_wait3A, %dma_wait3A_48] : memref<84x128xi32, #tpu.memory_space<vmem>> -> memref<76x128xi32, #tpu.memory_space<vmem>>
        %dma_wait3A_50 = arith.constant 0 : i32
        %dma_wait3A_51 = tpu.memref_slice %arg3[%add3A_38, %dma_wait3A_50] : memref<2560x128xi32, #tpu.memory_space<hbm>> -> memref<76x128xi32, #tpu.memory_space<hbm>>
        %dma_wait3A_52 = arith.constant 0 : i32
        %dma_wait3A_53 = arith.constant 0 : i32
        %dma_wait3A_54 = tpu.memref_slice %arg8[%dma_wait3A_52, %dma_wait3A_53] : memref<84x128xi32, #tpu.memory_space<vmem>> -> memref<76x128xi32, #tpu.memory_space<vmem>>
        %dma_wait3A_55 = arith.constant 0 : i32
        %dma_wait3A_56 = tpu.memref_slice %arg3[%add3A_38, %dma_wait3A_55] : memref<2560x128xi32, #tpu.memory_space<hbm>> -> memref<76x128xi32, #tpu.memory_space<hbm>>
        tpu.wait_dma2 semaphore(%run_scoped3A : memref<!tpu.dma_semaphore, #tpu.memory_space<semaphore_mem>>) src(%dma_wait3A_56 : memref<76x128xi32, #tpu.memory_space<hbm>>) dst(%dma_wait3A_54 : memref<76x128xi32, #tpu.memory_space<vmem>>)
        tpu.yield
      }) : () -> ()
    } else {
    }
    %barrier3A = arith.constant 0 : index
    tpu.barrier barrier_id(%barrier3A)
    %eq3A_14 = arith.constant 0 : i32
    %eq3A_15 = arith.cmpi eq, %arg0, %eq3A_14 : i32
    %convert_element_type3A_16 = arith.extui %eq3A_15 : i1 to i32
    %cond3A_17 = arith.constant 0 : i32
    %cond3A_18 = arith.cmpi ne, %convert_element_type3A_16, %cond3A_17 : i32
    scf.if %cond3A_18 {
      %dma_start3A = arith.constant 0 : i32
      %dma_start3A_31 = arith.constant 0 : i32
      %dma_start3A_32 = arith.constant 0 : i32
      %dma_start3A_33 = arith.constant 0 : i32
      %dma_start3A_34 = arith.constant 0 : i32
      %dma_start3A_35 = tpu.memref_slice %arg9[%dma_start3A_31, %dma_start3A_33, %dma_start3A_34] : memref<4x128x32xbf16, #tpu.memory_space<vmem>> -> memref<1x128x32xbf16, #tpu.memory_space<vmem>>
      %dma_start3A_36 = tpu.memref_squeeze %dma_start3A_35 : memref<1x128x32xbf16, #tpu.memory_space<vmem>> -> memref<128x32xbf16, #tpu.memory_space<vmem>>
      %dma_start3A_37 = arith.constant 0 : i32
      %dma_start3A_38 = tpu.memref_slice %arg7[%dma_start3A, %dma_start3A_37] : memref<84x128xi32, #tpu.memory_space<vmem>> -> memref<1x128xi32, #tpu.memory_space<vmem>>
      %dma_start3A_39 = tpu.memref_squeeze %dma_start3A_38 : memref<1x128xi32, #tpu.memory_space<vmem>> -> memref<128xi32, #tpu.memory_space<vmem>>
      %dma_start3A_40 = arith.constant 0 : i32
      %dma_start3A_41 = arith.constant 0 : i32
      %dma_start3A_42 = tpu.memref_slice %arg11[%dma_start3A_40, %dma_start3A_41] : memref<10112x32xbf16, #tpu.memory_space<vmem_shared>> -> memref<10112x32xbf16, #tpu.memory_space<vmem_shared>>
      %dma_start3A_43 = tpu.memref_slice %arg12[%dma_start3A_32] : memref<4x!tpu.dma_semaphore, #tpu.memory_space<semaphore_mem>> -> memref<1x!tpu.dma_semaphore, #tpu.memory_space<semaphore_mem>>
      %dma_start3A_44 = tpu.memref_squeeze %dma_start3A_43 : memref<1x!tpu.dma_semaphore, #tpu.memory_space<semaphore_mem>> -> memref<!tpu.dma_semaphore, #tpu.memory_space<semaphore_mem>>
      tpu.enqueue_indirect_dma source(%dma_start3A_42 : memref<10112x32xbf16, #tpu.memory_space<vmem_shared>>) target(%dma_start3A_36 : memref<128x32xbf16, #tpu.memory_space<vmem>>) offsets(%dma_start3A_39 : memref<128xi32, #tpu.memory_space<vmem>>) semaphore(%dma_start3A_44 : memref<!tpu.dma_semaphore, #tpu.memory_space<semaphore_mem>>)
      %dma_start3A_45 = arith.constant 1 : i32
      %dma_start3A_46 = arith.constant 1 : i32
      %dma_start3A_47 = arith.constant 1 : i32
      %dma_start3A_48 = arith.constant 0 : i32
      %dma_start3A_49 = arith.constant 0 : i32
      %dma_start3A_50 = tpu.memref_slice %arg9[%dma_start3A_46, %dma_start3A_48, %dma_start3A_49] : memref<4x128x32xbf16, #tpu.memory_space<vmem>> -> memref<1x128x32xbf16, #tpu.memory_space<vmem>>
      %dma_start3A_51 = tpu.memref_squeeze %dma_start3A_50 : memref<1x128x32xbf16, #tpu.memory_space<vmem>> -> memref<128x32xbf16, #tpu.memory_space<vmem>>
      %dma_start3A_52 = arith.constant 0 : i32
      %dma_start3A_53 = tpu.memref_slice %arg7[%dma_start3A_45, %dma_start3A_52] : memref<84x128xi32, #tpu.memory_space<vmem>> -> memref<1x128xi32, #tpu.memory_space<vmem>>
      %dma_start3A_54 = tpu.memref_squeeze %dma_start3A_53 : memref<1x128xi32, #tpu.memory_space<vmem>> -> memref<128xi32, #tpu.memory_space<vmem>>
      %dma_start3A_55 = arith.constant 0 : i32
      %dma_start3A_56 = arith.constant 0 : i32
      %dma_start3A_57 = tpu.memref_slice %arg11[%dma_start3A_55, %dma_start3A_56] : memref<10112x32xbf16, #tpu.memory_space<vmem_shared>> -> memref<10112x32xbf16, #tpu.memory_space<vmem_shared>>
      %dma_start3A_58 = tpu.memref_slice %arg12[%dma_start3A_47] : memref<4x!tpu.dma_semaphore, #tpu.memory_space<semaphore_mem>> -> memref<1x!tpu.dma_semaphore, #tpu.memory_space<semaphore_mem>>
      %dma_start3A_59 = tpu.memref_squeeze %dma_start3A_58 : memref<1x!tpu.dma_semaphore, #tpu.memory_space<semaphore_mem>> -> memref<!tpu.dma_semaphore, #tpu.memory_space<semaphore_mem>>
      tpu.enqueue_indirect_dma source(%dma_start3A_57 : memref<10112x32xbf16, #tpu.memory_space<vmem_shared>>) target(%dma_start3A_51 : memref<128x32xbf16, #tpu.memory_space<vmem>>) offsets(%dma_start3A_54 : memref<128xi32, #tpu.memory_space<vmem>>) semaphore(%dma_start3A_59 : memref<!tpu.dma_semaphore, #tpu.memory_space<semaphore_mem>>)
      %dma_start3A_60 = arith.constant 2 : i32
      %dma_start3A_61 = arith.constant 2 : i32
      %dma_start3A_62 = arith.constant 2 : i32
      %dma_start3A_63 = arith.constant 0 : i32
      %dma_start3A_64 = arith.constant 0 : i32
      %dma_start3A_65 = tpu.memref_slice %arg9[%dma_start3A_61, %dma_start3A_63, %dma_start3A_64] : memref<4x128x32xbf16, #tpu.memory_space<vmem>> -> memref<1x128x32xbf16, #tpu.memory_space<vmem>>
      %dma_start3A_66 = tpu.memref_squeeze %dma_start3A_65 : memref<1x128x32xbf16, #tpu.memory_space<vmem>> -> memref<128x32xbf16, #tpu.memory_space<vmem>>
      %dma_start3A_67 = arith.constant 0 : i32
      %dma_start3A_68 = tpu.memref_slice %arg7[%dma_start3A_60, %dma_start3A_67] : memref<84x128xi32, #tpu.memory_space<vmem>> -> memref<1x128xi32, #tpu.memory_space<vmem>>
      %dma_start3A_69 = tpu.memref_squeeze %dma_start3A_68 : memref<1x128xi32, #tpu.memory_space<vmem>> -> memref<128xi32, #tpu.memory_space<vmem>>
      %dma_start3A_70 = arith.constant 0 : i32
      %dma_start3A_71 = arith.constant 0 : i32
      %dma_start3A_72 = tpu.memref_slice %arg11[%dma_start3A_70, %dma_start3A_71] : memref<10112x32xbf16, #tpu.memory_space<vmem_shared>> -> memref<10112x32xbf16, #tpu.memory_space<vmem_shared>>
      %dma_start3A_73 = tpu.memref_slice %arg12[%dma_start3A_62] : memref<4x!tpu.dma_semaphore, #tpu.memory_space<semaphore_mem>> -> memref<1x!tpu.dma_semaphore, #tpu.memory_space<semaphore_mem>>
      %dma_start3A_74 = tpu.memref_squeeze %dma_start3A_73 : memref<1x!tpu.dma_semaphore, #tpu.memory_space<semaphore_mem>> -> memref<!tpu.dma_semaphore, #tpu.memory_space<semaphore_mem>>
      tpu.enqueue_indirect_dma source(%dma_start3A_72 : memref<10112x32xbf16, #tpu.memory_space<vmem_shared>>) target(%dma_start3A_66 : memref<128x32xbf16, #tpu.memory_space<vmem>>) offsets(%dma_start3A_69 : memref<128xi32, #tpu.memory_space<vmem>>) semaphore(%dma_start3A_74 : memref<!tpu.dma_semaphore, #tpu.memory_space<semaphore_mem>>)
      %dma_start3A_75 = arith.constant 3 : i32
      %dma_start3A_76 = arith.constant 3 : i32
      %dma_start3A_77 = arith.constant 3 : i32
      %dma_start3A_78 = arith.constant 0 : i32
      %dma_start3A_79 = arith.constant 0 : i32
      %dma_start3A_80 = tpu.memref_slice %arg9[%dma_start3A_76, %dma_start3A_78, %dma_start3A_79] : memref<4x128x32xbf16, #tpu.memory_space<vmem>> -> memref<1x128x32xbf16, #tpu.memory_space<vmem>>
      %dma_start3A_81 = tpu.memref_squeeze %dma_start3A_80 : memref<1x128x32xbf16, #tpu.memory_space<vmem>> -> memref<128x32xbf16, #tpu.memory_space<vmem>>
      %dma_start3A_82 = arith.constant 0 : i32
      %dma_start3A_83 = tpu.memref_slice %arg7[%dma_start3A_75, %dma_start3A_82] : memref<84x128xi32, #tpu.memory_space<vmem>> -> memref<1x128xi32, #tpu.memory_space<vmem>>
      %dma_start3A_84 = tpu.memref_squeeze %dma_start3A_83 : memref<1x128xi32, #tpu.memory_space<vmem>> -> memref<128xi32, #tpu.memory_space<vmem>>
      %dma_start3A_85 = arith.constant 0 : i32
      %dma_start3A_86 = arith.constant 0 : i32
      %dma_start3A_87 = tpu.memref_slice %arg11[%dma_start3A_85, %dma_start3A_86] : memref<10112x32xbf16, #tpu.memory_space<vmem_shared>> -> memref<10112x32xbf16, #tpu.memory_space<vmem_shared>>
      %dma_start3A_88 = tpu.memref_slice %arg12[%dma_start3A_77] : memref<4x!tpu.dma_semaphore, #tpu.memory_space<semaphore_mem>> -> memref<1x!tpu.dma_semaphore, #tpu.memory_space<semaphore_mem>>
      %dma_start3A_89 = tpu.memref_squeeze %dma_start3A_88 : memref<1x!tpu.dma_semaphore, #tpu.memory_space<semaphore_mem>> -> memref<!tpu.dma_semaphore, #tpu.memory_space<semaphore_mem>>
      tpu.enqueue_indirect_dma source(%dma_start3A_87 : memref<10112x32xbf16, #tpu.memory_space<vmem_shared>>) target(%dma_start3A_81 : memref<128x32xbf16, #tpu.memory_space<vmem>>) offsets(%dma_start3A_84 : memref<128xi32, #tpu.memory_space<vmem>>) semaphore(%dma_start3A_89 : memref<!tpu.dma_semaphore, #tpu.memory_space<semaphore_mem>>)
      %scan3A = arith.constant 0 : i32
      %scan3A_90 = arith.constant 0 : i32
      %scan3A_91 = arith.constant 21 : i32
      %scan3A_92 = arith.addi %scan3A_90, %scan3A_91 : i32
      %scan3A_93 = arith.constant 1 : i32
      scf.for %scan3A_95 = %scan3A_90 to %scan3A_92 step %scan3A_93  : i32 {
        %mul3A_96 = arith.constant 4 : i32
        %mul3A_97 = arith.muli %scan3A_95, %mul3A_96 : i32
        %add3A_98 = arith.constant 0 : i32
        %add3A_99 = arith.addi %mul3A_97, %add3A_98 : i32
        %dma_wait3A = arith.constant 0 : i32
        %dma_wait3A_100 = arith.constant 0 : i32
        %dma_wait3A_101 = arith.constant 0 : i32
        %dma_wait3A_102 = arith.constant 0 : i32
        %dma_wait3A_103 = tpu.memref_slice %arg9[%dma_wait3A, %dma_wait3A_101, %dma_wait3A_102] : memref<4x128x32xbf16, #tpu.memory_space<vmem>> -> memref<1x128x32xbf16, #tpu.memory_space<vmem>>
        %dma_wait3A_104 = tpu.memref_squeeze %dma_wait3A_103 : memref<1x128x32xbf16, #tpu.memory_space<vmem>> -> memref<128x32xbf16, #tpu.memory_space<vmem>>
        %dma_wait3A_105 = arith.constant 0 : i32
        %dma_wait3A_106 = tpu.memref_slice %arg7[%add3A_99, %dma_wait3A_105] : memref<84x128xi32, #tpu.memory_space<vmem>> -> memref<1x128xi32, #tpu.memory_space<vmem>>
        %dma_wait3A_107 = tpu.memref_squeeze %dma_wait3A_106 : memref<1x128xi32, #tpu.memory_space<vmem>> -> memref<128xi32, #tpu.memory_space<vmem>>
        %dma_wait3A_108 = arith.constant 0 : i32
        %dma_wait3A_109 = arith.constant 0 : i32
        %dma_wait3A_110 = tpu.memref_slice %arg11[%dma_wait3A_108, %dma_wait3A_109] : memref<10112x32xbf16, #tpu.memory_space<vmem_shared>> -> memref<10112x32xbf16, #tpu.memory_space<vmem_shared>>
        %dma_wait3A_111 = tpu.memref_slice %arg12[%dma_wait3A_100] : memref<4x!tpu.dma_semaphore, #tpu.memory_space<semaphore_mem>> -> memref<1x!tpu.dma_semaphore, #tpu.memory_space<semaphore_mem>>
        %dma_wait3A_112 = tpu.memref_squeeze %dma_wait3A_111 : memref<1x!tpu.dma_semaphore, #tpu.memory_space<semaphore_mem>> -> memref<!tpu.dma_semaphore, #tpu.memory_space<semaphore_mem>>
        tpu.wait_indirect_dma semaphore(%dma_wait3A_112 : memref<!tpu.dma_semaphore, #tpu.memory_space<semaphore_mem>>) src(%dma_wait3A_110 : memref<10112x32xbf16, #tpu.memory_space<vmem_shared>>) dst(%dma_wait3A_104 : memref<128x32xbf16, #tpu.memory_space<vmem>>)
        %run_scoped3A = arith.constant 0 : i32
        "tpu.region"() ({
          %run_scoped3A_191 = tpu.sem_alloc : memref<!tpu.dma_semaphore, #tpu.memory_space<semaphore_mem>>
          %dma_start3A_192 = arith.constant 0 : i32
          %dma_start3A_193 = arith.constant 0 : i32
          %dma_start3A_194 = tpu.memref_slice %arg9[%run_scoped3A, %dma_start3A_192, %dma_start3A_193] : memref<4x128x32xbf16, #tpu.memory_space<vmem>> -> memref<1x128x32xbf16, #tpu.memory_space<vmem>>
          %dma_start3A_195 = tpu.memref_squeeze %dma_start3A_194 : memref<1x128x32xbf16, #tpu.memory_space<vmem>> -> memref<128x32xbf16, #tpu.memory_space<vmem>>
          %dma_start3A_196 = arith.constant 0 : i32
          %dma_start3A_197 = tpu.memref_slice %arg8[%add3A_99, %dma_start3A_196] : memref<84x128xi32, #tpu.memory_space<vmem>> -> memref<1x128xi32, #tpu.memory_space<vmem>>
          %dma_start3A_198 = tpu.memref_squeeze %dma_start3A_197 : memref<1x128xi32, #tpu.memory_space<vmem>> -> memref<128xi32, #tpu.memory_space<vmem>>
          %dma_start3A_199 = arith.constant 0 : i32
          %dma_start3A_200 = arith.constant 0 : i32
          %dma_start3A_201 = tpu.memref_slice %arg10[%dma_start3A_199, %dma_start3A_200] : memref<10112x32xbf16, #tpu.memory_space<vmem_shared>> -> memref<10112x32xbf16, #tpu.memory_space<vmem_shared>>
          tpu.enqueue_indirect_dma source(%dma_start3A_195 : memref<128x32xbf16, #tpu.memory_space<vmem>>) target(%dma_start3A_201 : memref<10112x32xbf16, #tpu.memory_space<vmem_shared>>) offsets(%dma_start3A_198 : memref<128xi32, #tpu.memory_space<vmem>>) semaphore(%run_scoped3A_191 : memref<!tpu.dma_semaphore, #tpu.memory_space<semaphore_mem>>) {add = true}
          %dma_wait3A_202 = arith.constant 0 : i32
          %dma_wait3A_203 = arith.constant 0 : i32
          %dma_wait3A_204 = tpu.memref_slice %arg9[%run_scoped3A, %dma_wait3A_202, %dma_wait3A_203] : memref<4x128x32xbf16, #tpu.memory_space<vmem>> -> memref<1x128x32xbf16, #tpu.memory_space<vmem>>
          %dma_wait3A_205 = tpu.memref_squeeze %dma_wait3A_204 : memref<1x128x32xbf16, #tpu.memory_space<vmem>> -> memref<128x32xbf16, #tpu.memory_space<vmem>>
          %dma_wait3A_206 = arith.constant 0 : i32
          %dma_wait3A_207 = tpu.memref_slice %arg8[%add3A_99, %dma_wait3A_206] : memref<84x128xi32, #tpu.memory_space<vmem>> -> memref<1x128xi32, #tpu.memory_space<vmem>>
          %dma_wait3A_208 = tpu.memref_squeeze %dma_wait3A_207 : memref<1x128xi32, #tpu.memory_space<vmem>> -> memref<128xi32, #tpu.memory_space<vmem>>
          %dma_wait3A_209 = arith.constant 0 : i32
          %dma_wait3A_210 = arith.constant 0 : i32
          %dma_wait3A_211 = tpu.memref_slice %arg10[%dma_wait3A_209, %dma_wait3A_210] : memref<10112x32xbf16, #tpu.memory_space<vmem_shared>> -> memref<10112x32xbf16, #tpu.memory_space<vmem_shared>>
          tpu.wait_indirect_dma semaphore(%run_scoped3A_191 : memref<!tpu.dma_semaphore, #tpu.memory_space<semaphore_mem>>) src(%dma_wait3A_205 : memref<128x32xbf16, #tpu.memory_space<vmem>>) dst(%dma_wait3A_211 : memref<10112x32xbf16, #tpu.memory_space<vmem_shared>>)
          tpu.yield
        }) : () -> ()
        %add3A_113 = arith.constant 4 : i32
        %add3A_114 = arith.addi %add3A_99, %add3A_113 : i32
        %lt3A = arith.constant 84 : i32
        %lt3A_115 = arith.cmpi slt, %add3A_114, %lt3A : i32
        %convert_element_type3A_116 = arith.extui %lt3A_115 : i1 to i32
        %cond3A_117 = arith.constant 0 : i32
        %cond3A_118 = arith.cmpi ne, %convert_element_type3A_116, %cond3A_117 : i32
        scf.if %cond3A_118 {
          %add3A_191 = arith.constant 4 : i32
          %add3A_192 = arith.addi %add3A_99, %add3A_191 : i32
          %dma_start3A_193 = arith.constant 0 : i32
          %dma_start3A_194 = arith.constant 0 : i32
          %dma_start3A_195 = arith.constant 0 : i32
          %dma_start3A_196 = arith.constant 0 : i32
          %dma_start3A_197 = tpu.memref_slice %arg9[%dma_start3A_193, %dma_start3A_195, %dma_start3A_196] : memref<4x128x32xbf16, #tpu.memory_space<vmem>> -> memref<1x128x32xbf16, #tpu.memory_space<vmem>>
          %dma_start3A_198 = tpu.memref_squeeze %dma_start3A_197 : memref<1x128x32xbf16, #tpu.memory_space<vmem>> -> memref<128x32xbf16, #tpu.memory_space<vmem>>
          %dma_start3A_199 = arith.constant 0 : i32
          %dma_start3A_200 = tpu.memref_slice %arg7[%add3A_192, %dma_start3A_199] : memref<84x128xi32, #tpu.memory_space<vmem>> -> memref<1x128xi32, #tpu.memory_space<vmem>>
          %dma_start3A_201 = tpu.memref_squeeze %dma_start3A_200 : memref<1x128xi32, #tpu.memory_space<vmem>> -> memref<128xi32, #tpu.memory_space<vmem>>
          %dma_start3A_202 = arith.constant 0 : i32
          %dma_start3A_203 = arith.constant 0 : i32
          %dma_start3A_204 = tpu.memref_slice %arg11[%dma_start3A_202, %dma_start3A_203] : memref<10112x32xbf16, #tpu.memory_space<vmem_shared>> -> memref<10112x32xbf16, #tpu.memory_space<vmem_shared>>
          %dma_start3A_205 = tpu.memref_slice %arg12[%dma_start3A_194] : memref<4x!tpu.dma_semaphore, #tpu.memory_space<semaphore_mem>> -> memref<1x!tpu.dma_semaphore, #tpu.memory_space<semaphore_mem>>
          %dma_start3A_206 = tpu.memref_squeeze %dma_start3A_205 : memref<1x!tpu.dma_semaphore, #tpu.memory_space<semaphore_mem>> -> memref<!tpu.dma_semaphore, #tpu.memory_space<semaphore_mem>>
          tpu.enqueue_indirect_dma source(%dma_start3A_204 : memref<10112x32xbf16, #tpu.memory_space<vmem_shared>>) target(%dma_start3A_198 : memref<128x32xbf16, #tpu.memory_space<vmem>>) offsets(%dma_start3A_201 : memref<128xi32, #tpu.memory_space<vmem>>) semaphore(%dma_start3A_206 : memref<!tpu.dma_semaphore, #tpu.memory_space<semaphore_mem>>)
        } else {
        }
        %add3A_119 = arith.constant 1 : i32
        %add3A_120 = arith.addi %mul3A_97, %add3A_119 : i32
        %dma_wait3A_121 = arith.constant 1 : i32
        %dma_wait3A_122 = arith.constant 1 : i32
        %dma_wait3A_123 = arith.constant 0 : i32
        %dma_wait3A_124 = arith.constant 0 : i32
        %dma_wait3A_125 = tpu.memref_slice %arg9[%dma_wait3A_121, %dma_wait3A_123, %dma_wait3A_124] : memref<4x128x32xbf16, #tpu.memory_space<vmem>> -> memref<1x128x32xbf16, #tpu.memory_space<vmem>>
        %dma_wait3A_126 = tpu.memref_squeeze %dma_wait3A_125 : memref<1x128x32xbf16, #tpu.memory_space<vmem>> -> memref<128x32xbf16, #tpu.memory_space<vmem>>
        %dma_wait3A_127 = arith.constant 0 : i32
        %dma_wait3A_128 = tpu.memref_slice %arg7[%add3A_120, %dma_wait3A_127] : memref<84x128xi32, #tpu.memory_space<vmem>> -> memref<1x128xi32, #tpu.memory_space<vmem>>
        %dma_wait3A_129 = tpu.memref_squeeze %dma_wait3A_128 : memref<1x128xi32, #tpu.memory_space<vmem>> -> memref<128xi32, #tpu.memory_space<vmem>>
        %dma_wait3A_130 = arith.constant 0 : i32
        %dma_wait3A_131 = arith.constant 0 : i32
        %dma_wait3A_132 = tpu.memref_slice %arg11[%dma_wait3A_130, %dma_wait3A_131] : memref<10112x32xbf16, #tpu.memory_space<vmem_shared>> -> memref<10112x32xbf16, #tpu.memory_space<vmem_shared>>
        %dma_wait3A_133 = tpu.memref_slice %arg12[%dma_wait3A_122] : memref<4x!tpu.dma_semaphore, #tpu.memory_space<semaphore_mem>> -> memref<1x!tpu.dma_semaphore, #tpu.memory_space<semaphore_mem>>
        %dma_wait3A_134 = tpu.memref_squeeze %dma_wait3A_133 : memref<1x!tpu.dma_semaphore, #tpu.memory_space<semaphore_mem>> -> memref<!tpu.dma_semaphore, #tpu.memory_space<semaphore_mem>>
        tpu.wait_indirect_dma semaphore(%dma_wait3A_134 : memref<!tpu.dma_semaphore, #tpu.memory_space<semaphore_mem>>) src(%dma_wait3A_132 : memref<10112x32xbf16, #tpu.memory_space<vmem_shared>>) dst(%dma_wait3A_126 : memref<128x32xbf16, #tpu.memory_space<vmem>>)
        %run_scoped3A_135 = arith.constant 1 : i32
        "tpu.region"() ({
          %run_scoped3A_191 = tpu.sem_alloc : memref<!tpu.dma_semaphore, #tpu.memory_space<semaphore_mem>>
          %dma_start3A_192 = arith.constant 0 : i32
          %dma_start3A_193 = arith.constant 0 : i32
          %dma_start3A_194 = tpu.memref_slice %arg9[%run_scoped3A_135, %dma_start3A_192, %dma_start3A_193] : memref<4x128x32xbf16, #tpu.memory_space<vmem>> -> memref<1x128x32xbf16, #tpu.memory_space<vmem>>
          %dma_start3A_195 = tpu.memref_squeeze %dma_start3A_194 : memref<1x128x32xbf16, #tpu.memory_space<vmem>> -> memref<128x32xbf16, #tpu.memory_space<vmem>>
          %dma_start3A_196 = arith.constant 0 : i32
          %dma_start3A_197 = tpu.memref_slice %arg8[%add3A_120, %dma_start3A_196] : memref<84x128xi32, #tpu.memory_space<vmem>> -> memref<1x128xi32, #tpu.memory_space<vmem>>
          %dma_start3A_198 = tpu.memref_squeeze %dma_start3A_197 : memref<1x128xi32, #tpu.memory_space<vmem>> -> memref<128xi32, #tpu.memory_space<vmem>>
          %dma_start3A_199 = arith.constant 0 : i32
          %dma_start3A_200 = arith.constant 0 : i32
          %dma_start3A_201 = tpu.memref_slice %arg10[%dma_start3A_199, %dma_start3A_200] : memref<10112x32xbf16, #tpu.memory_space<vmem_shared>> -> memref<10112x32xbf16, #tpu.memory_space<vmem_shared>>
          tpu.enqueue_indirect_dma source(%dma_start3A_195 : memref<128x32xbf16, #tpu.memory_space<vmem>>) target(%dma_start3A_201 : memref<10112x32xbf16, #tpu.memory_space<vmem_shared>>) offsets(%dma_start3A_198 : memref<128xi32, #tpu.memory_space<vmem>>) semaphore(%run_scoped3A_191 : memref<!tpu.dma_semaphore, #tpu.memory_space<semaphore_mem>>) {add = true}
          %dma_wait3A_202 = arith.constant 0 : i32
          %dma_wait3A_203 = arith.constant 0 : i32
          %dma_wait3A_204 = tpu.memref_slice %arg9[%run_scoped3A_135, %dma_wait3A_202, %dma_wait3A_203] : memref<4x128x32xbf16, #tpu.memory_space<vmem>> -> memref<1x128x32xbf16, #tpu.memory_space<vmem>>
          %dma_wait3A_205 = tpu.memref_squeeze %dma_wait3A_204 : memref<1x128x32xbf16, #tpu.memory_space<vmem>> -> memref<128x32xbf16, #tpu.memory_space<vmem>>
          %dma_wait3A_206 = arith.constant 0 : i32
          %dma_wait3A_207 = tpu.memref_slice %arg8[%add3A_120, %dma_wait3A_206] : memref<84x128xi32, #tpu.memory_space<vmem>> -> memref<1x128xi32, #tpu.memory_space<vmem>>
          %dma_wait3A_208 = tpu.memref_squeeze %dma_wait3A_207 : memref<1x128xi32, #tpu.memory_space<vmem>> -> memref<128xi32, #tpu.memory_space<vmem>>
          %dma_wait3A_209 = arith.constant 0 : i32
          %dma_wait3A_210 = arith.constant 0 : i32
          %dma_wait3A_211 = tpu.memref_slice %arg10[%dma_wait3A_209, %dma_wait3A_210] : memref<10112x32xbf16, #tpu.memory_space<vmem_shared>> -> memref<10112x32xbf16, #tpu.memory_space<vmem_shared>>
          tpu.wait_indirect_dma semaphore(%run_scoped3A_191 : memref<!tpu.dma_semaphore, #tpu.memory_space<semaphore_mem>>) src(%dma_wait3A_205 : memref<128x32xbf16, #tpu.memory_space<vmem>>) dst(%dma_wait3A_211 : memref<10112x32xbf16, #tpu.memory_space<vmem_shared>>)
          tpu.yield
        }) : () -> ()
        %add3A_136 = arith.constant 4 : i32
        %add3A_137 = arith.addi %add3A_120, %add3A_136 : i32
        %lt3A_138 = arith.constant 84 : i32
        %lt3A_139 = arith.cmpi slt, %add3A_137, %lt3A_138 : i32
        %convert_element_type3A_140 = arith.extui %lt3A_139 : i1 to i32
        %cond3A_141 = arith.constant 0 : i32
        %cond3A_142 = arith.cmpi ne, %convert_element_type3A_140, %cond3A_141 : i32
        scf.if %cond3A_142 {
          %add3A_191 = arith.constant 4 : i32
          %add3A_192 = arith.addi %add3A_120, %add3A_191 : i32
          %dma_start3A_193 = arith.constant 1 : i32
          %dma_start3A_194 = arith.constant 1 : i32
          %dma_start3A_195 = arith.constant 0 : i32
          %dma_start3A_196 = arith.constant 0 : i32
          %dma_start3A_197 = tpu.memref_slice %arg9[%dma_start3A_193, %dma_start3A_195, %dma_start3A_196] : memref<4x128x32xbf16, #tpu.memory_space<vmem>> -> memref<1x128x32xbf16, #tpu.memory_space<vmem>>
          %dma_start3A_198 = tpu.memref_squeeze %dma_start3A_197 : memref<1x128x32xbf16, #tpu.memory_space<vmem>> -> memref<128x32xbf16, #tpu.memory_space<vmem>>
          %dma_start3A_199 = arith.constant 0 : i32
          %dma_start3A_200 = tpu.memref_slice %arg7[%add3A_192, %dma_start3A_199] : memref<84x128xi32, #tpu.memory_space<vmem>> -> memref<1x128xi32, #tpu.memory_space<vmem>>
          %dma_start3A_201 = tpu.memref_squeeze %dma_start3A_200 : memref<1x128xi32, #tpu.memory_space<vmem>> -> memref<128xi32, #tpu.memory_space<vmem>>
          %dma_start3A_202 = arith.constant 0 : i32
          %dma_start3A_203 = arith.constant 0 : i32
          %dma_start3A_204 = tpu.memref_slice %arg11[%dma_start3A_202, %dma_start3A_203] : memref<10112x32xbf16, #tpu.memory_space<vmem_shared>> -> memref<10112x32xbf16, #tpu.memory_space<vmem_shared>>
          %dma_start3A_205 = tpu.memref_slice %arg12[%dma_start3A_194] : memref<4x!tpu.dma_semaphore, #tpu.memory_space<semaphore_mem>> -> memref<1x!tpu.dma_semaphore, #tpu.memory_space<semaphore_mem>>
          %dma_start3A_206 = tpu.memref_squeeze %dma_start3A_205 : memref<1x!tpu.dma_semaphore, #tpu.memory_space<semaphore_mem>> -> memref<!tpu.dma_semaphore, #tpu.memory_space<semaphore_mem>>
          tpu.enqueue_indirect_dma source(%dma_start3A_204 : memref<10112x32xbf16, #tpu.memory_space<vmem_shared>>) target(%dma_start3A_198 : memref<128x32xbf16, #tpu.memory_space<vmem>>) offsets(%dma_start3A_201 : memref<128xi32, #tpu.memory_space<vmem>>) semaphore(%dma_start3A_206 : memref<!tpu.dma_semaphore, #tpu.memory_space<semaphore_mem>>)
        } else {
        }
        %add3A_143 = arith.constant 2 : i32
        %add3A_144 = arith.addi %mul3A_97, %add3A_143 : i32
        %dma_wait3A_145 = arith.constant 2 : i32
        %dma_wait3A_146 = arith.constant 2 : i32
        %dma_wait3A_147 = arith.constant 0 : i32
        %dma_wait3A_148 = arith.constant 0 : i32
        %dma_wait3A_149 = tpu.memref_slice %arg9[%dma_wait3A_145, %dma_wait3A_147, %dma_wait3A_148] : memref<4x128x32xbf16, #tpu.memory_space<vmem>> -> memref<1x128x32xbf16, #tpu.memory_space<vmem>>
        %dma_wait3A_150 = tpu.memref_squeeze %dma_wait3A_149 : memref<1x128x32xbf16, #tpu.memory_space<vmem>> -> memref<128x32xbf16, #tpu.memory_space<vmem>>
        %dma_wait3A_151 = arith.constant 0 : i32
        %dma_wait3A_152 = tpu.memref_slice %arg7[%add3A_144, %dma_wait3A_151] : memref<84x128xi32, #tpu.memory_space<vmem>> -> memref<1x128xi32, #tpu.memory_space<vmem>>
        %dma_wait3A_153 = tpu.memref_squeeze %dma_wait3A_152 : memref<1x128xi32, #tpu.memory_space<vmem>> -> memref<128xi32, #tpu.memory_space<vmem>>
        %dma_wait3A_154 = arith.constant 0 : i32
        %dma_wait3A_155 = arith.constant 0 : i32
        %dma_wait3A_156 = tpu.memref_slice %arg11[%dma_wait3A_154, %dma_wait3A_155] : memref<10112x32xbf16, #tpu.memory_space<vmem_shared>> -> memref<10112x32xbf16, #tpu.memory_space<vmem_shared>>
        %dma_wait3A_157 = tpu.memref_slice %arg12[%dma_wait3A_146] : memref<4x!tpu.dma_semaphore, #tpu.memory_space<semaphore_mem>> -> memref<1x!tpu.dma_semaphore, #tpu.memory_space<semaphore_mem>>
        %dma_wait3A_158 = tpu.memref_squeeze %dma_wait3A_157 : memref<1x!tpu.dma_semaphore, #tpu.memory_space<semaphore_mem>> -> memref<!tpu.dma_semaphore, #tpu.memory_space<semaphore_mem>>
        tpu.wait_indirect_dma semaphore(%dma_wait3A_158 : memref<!tpu.dma_semaphore, #tpu.memory_space<semaphore_mem>>) src(%dma_wait3A_156 : memref<10112x32xbf16, #tpu.memory_space<vmem_shared>>) dst(%dma_wait3A_150 : memref<128x32xbf16, #tpu.memory_space<vmem>>)
        %run_scoped3A_159 = arith.constant 2 : i32
        "tpu.region"() ({
          %run_scoped3A_191 = tpu.sem_alloc : memref<!tpu.dma_semaphore, #tpu.memory_space<semaphore_mem>>
          %dma_start3A_192 = arith.constant 0 : i32
          %dma_start3A_193 = arith.constant 0 : i32
          %dma_start3A_194 = tpu.memref_slice %arg9[%run_scoped3A_159, %dma_start3A_192, %dma_start3A_193] : memref<4x128x32xbf16, #tpu.memory_space<vmem>> -> memref<1x128x32xbf16, #tpu.memory_space<vmem>>
          %dma_start3A_195 = tpu.memref_squeeze %dma_start3A_194 : memref<1x128x32xbf16, #tpu.memory_space<vmem>> -> memref<128x32xbf16, #tpu.memory_space<vmem>>
          %dma_start3A_196 = arith.constant 0 : i32
          %dma_start3A_197 = tpu.memref_slice %arg8[%add3A_144, %dma_start3A_196] : memref<84x128xi32, #tpu.memory_space<vmem>> -> memref<1x128xi32, #tpu.memory_space<vmem>>
          %dma_start3A_198 = tpu.memref_squeeze %dma_start3A_197 : memref<1x128xi32, #tpu.memory_space<vmem>> -> memref<128xi32, #tpu.memory_space<vmem>>
          %dma_start3A_199 = arith.constant 0 : i32
          %dma_start3A_200 = arith.constant 0 : i32
          %dma_start3A_201 = tpu.memref_slice %arg10[%dma_start3A_199, %dma_start3A_200] : memref<10112x32xbf16, #tpu.memory_space<vmem_shared>> -> memref<10112x32xbf16, #tpu.memory_space<vmem_shared>>
          tpu.enqueue_indirect_dma source(%dma_start3A_195 : memref<128x32xbf16, #tpu.memory_space<vmem>>) target(%dma_start3A_201 : memref<10112x32xbf16, #tpu.memory_space<vmem_shared>>) offsets(%dma_start3A_198 : memref<128xi32, #tpu.memory_space<vmem>>) semaphore(%run_scoped3A_191 : memref<!tpu.dma_semaphore, #tpu.memory_space<semaphore_mem>>) {add = true}
          %dma_wait3A_202 = arith.constant 0 : i32
          %dma_wait3A_203 = arith.constant 0 : i32
          %dma_wait3A_204 = tpu.memref_slice %arg9[%run_scoped3A_159, %dma_wait3A_202, %dma_wait3A_203] : memref<4x128x32xbf16, #tpu.memory_space<vmem>> -> memref<1x128x32xbf16, #tpu.memory_space<vmem>>
          %dma_wait3A_205 = tpu.memref_squeeze %dma_wait3A_204 : memref<1x128x32xbf16, #tpu.memory_space<vmem>> -> memref<128x32xbf16, #tpu.memory_space<vmem>>
          %dma_wait3A_206 = arith.constant 0 : i32
          %dma_wait3A_207 = tpu.memref_slice %arg8[%add3A_144, %dma_wait3A_206] : memref<84x128xi32, #tpu.memory_space<vmem>> -> memref<1x128xi32, #tpu.memory_space<vmem>>
          %dma_wait3A_208 = tpu.memref_squeeze %dma_wait3A_207 : memref<1x128xi32, #tpu.memory_space<vmem>> -> memref<128xi32, #tpu.memory_space<vmem>>
          %dma_wait3A_209 = arith.constant 0 : i32
          %dma_wait3A_210 = arith.constant 0 : i32
          %dma_wait3A_211 = tpu.memref_slice %arg10[%dma_wait3A_209, %dma_wait3A_210] : memref<10112x32xbf16, #tpu.memory_space<vmem_shared>> -> memref<10112x32xbf16, #tpu.memory_space<vmem_shared>>
          tpu.wait_indirect_dma semaphore(%run_scoped3A_191 : memref<!tpu.dma_semaphore, #tpu.memory_space<semaphore_mem>>) src(%dma_wait3A_205 : memref<128x32xbf16, #tpu.memory_space<vmem>>) dst(%dma_wait3A_211 : memref<10112x32xbf16, #tpu.memory_space<vmem_shared>>)
          tpu.yield
        }) : () -> ()
        %add3A_160 = arith.constant 4 : i32
        %add3A_161 = arith.addi %add3A_144, %add3A_160 : i32
        %lt3A_162 = arith.constant 84 : i32
        %lt3A_163 = arith.cmpi slt, %add3A_161, %lt3A_162 : i32
        %convert_element_type3A_164 = arith.extui %lt3A_163 : i1 to i32
        %cond3A_165 = arith.constant 0 : i32
        %cond3A_166 = arith.cmpi ne, %convert_element_type3A_164, %cond3A_165 : i32
        scf.if %cond3A_166 {
          %add3A_191 = arith.constant 4 : i32
          %add3A_192 = arith.addi %add3A_144, %add3A_191 : i32
          %dma_start3A_193 = arith.constant 2 : i32
          %dma_start3A_194 = arith.constant 2 : i32
          %dma_start3A_195 = arith.constant 0 : i32
          %dma_start3A_196 = arith.constant 0 : i32
          %dma_start3A_197 = tpu.memref_slice %arg9[%dma_start3A_193, %dma_start3A_195, %dma_start3A_196] : memref<4x128x32xbf16, #tpu.memory_space<vmem>> -> memref<1x128x32xbf16, #tpu.memory_space<vmem>>
          %dma_start3A_198 = tpu.memref_squeeze %dma_start3A_197 : memref<1x128x32xbf16, #tpu.memory_space<vmem>> -> memref<128x32xbf16, #tpu.memory_space<vmem>>
          %dma_start3A_199 = arith.constant 0 : i32
          %dma_start3A_200 = tpu.memref_slice %arg7[%add3A_192, %dma_start3A_199] : memref<84x128xi32, #tpu.memory_space<vmem>> -> memref<1x128xi32, #tpu.memory_space<vmem>>
          %dma_start3A_201 = tpu.memref_squeeze %dma_start3A_200 : memref<1x128xi32, #tpu.memory_space<vmem>> -> memref<128xi32, #tpu.memory_space<vmem>>
          %dma_start3A_202 = arith.constant 0 : i32
          %dma_start3A_203 = arith.constant 0 : i32
          %dma_start3A_204 = tpu.memref_slice %arg11[%dma_start3A_202, %dma_start3A_203] : memref<10112x32xbf16, #tpu.memory_space<vmem_shared>> -> memref<10112x32xbf16, #tpu.memory_space<vmem_shared>>
          %dma_start3A_205 = tpu.memref_slice %arg12[%dma_start3A_194] : memref<4x!tpu.dma_semaphore, #tpu.memory_space<semaphore_mem>> -> memref<1x!tpu.dma_semaphore, #tpu.memory_space<semaphore_mem>>
          %dma_start3A_206 = tpu.memref_squeeze %dma_start3A_205 : memref<1x!tpu.dma_semaphore, #tpu.memory_space<semaphore_mem>> -> memref<!tpu.dma_semaphore, #tpu.memory_space<semaphore_mem>>
          tpu.enqueue_indirect_dma source(%dma_start3A_204 : memref<10112x32xbf16, #tpu.memory_space<vmem_shared>>) target(%dma_start3A_198 : memref<128x32xbf16, #tpu.memory_space<vmem>>) offsets(%dma_start3A_201 : memref<128xi32, #tpu.memory_space<vmem>>) semaphore(%dma_start3A_206 : memref<!tpu.dma_semaphore, #tpu.memory_space<semaphore_mem>>)
        } else {
        }
        %add3A_167 = arith.constant 3 : i32
        %add3A_168 = arith.addi %mul3A_97, %add3A_167 : i32
        %dma_wait3A_169 = arith.constant 3 : i32
        %dma_wait3A_170 = arith.constant 3 : i32
        %dma_wait3A_171 = arith.constant 0 : i32
        %dma_wait3A_172 = arith.constant 0 : i32
        %dma_wait3A_173 = tpu.memref_slice %arg9[%dma_wait3A_169, %dma_wait3A_171, %dma_wait3A_172] : memref<4x128x32xbf16, #tpu.memory_space<vmem>> -> memref<1x128x32xbf16, #tpu.memory_space<vmem>>
        %dma_wait3A_174 = tpu.memref_squeeze %dma_wait3A_173 : memref<1x128x32xbf16, #tpu.memory_space<vmem>> -> memref<128x32xbf16, #tpu.memory_space<vmem>>
        %dma_wait3A_175 = arith.constant 0 : i32
        %dma_wait3A_176 = tpu.memref_slice %arg7[%add3A_168, %dma_wait3A_175] : memref<84x128xi32, #tpu.memory_space<vmem>> -> memref<1x128xi32, #tpu.memory_space<vmem>>
        %dma_wait3A_177 = tpu.memref_squeeze %dma_wait3A_176 : memref<1x128xi32, #tpu.memory_space<vmem>> -> memref<128xi32, #tpu.memory_space<vmem>>
        %dma_wait3A_178 = arith.constant 0 : i32
        %dma_wait3A_179 = arith.constant 0 : i32
        %dma_wait3A_180 = tpu.memref_slice %arg11[%dma_wait3A_178, %dma_wait3A_179] : memref<10112x32xbf16, #tpu.memory_space<vmem_shared>> -> memref<10112x32xbf16, #tpu.memory_space<vmem_shared>>
        %dma_wait3A_181 = tpu.memref_slice %arg12[%dma_wait3A_170] : memref<4x!tpu.dma_semaphore, #tpu.memory_space<semaphore_mem>> -> memref<1x!tpu.dma_semaphore, #tpu.memory_space<semaphore_mem>>
        %dma_wait3A_182 = tpu.memref_squeeze %dma_wait3A_181 : memref<1x!tpu.dma_semaphore, #tpu.memory_space<semaphore_mem>> -> memref<!tpu.dma_semaphore, #tpu.memory_space<semaphore_mem>>
        tpu.wait_indirect_dma semaphore(%dma_wait3A_182 : memref<!tpu.dma_semaphore, #tpu.memory_space<semaphore_mem>>) src(%dma_wait3A_180 : memref<10112x32xbf16, #tpu.memory_space<vmem_shared>>) dst(%dma_wait3A_174 : memref<128x32xbf16, #tpu.memory_space<vmem>>)
        %run_scoped3A_183 = arith.constant 3 : i32
        "tpu.region"() ({
          %run_scoped3A_191 = tpu.sem_alloc : memref<!tpu.dma_semaphore, #tpu.memory_space<semaphore_mem>>
          %dma_start3A_192 = arith.constant 0 : i32
          %dma_start3A_193 = arith.constant 0 : i32
          %dma_start3A_194 = tpu.memref_slice %arg9[%run_scoped3A_183, %dma_start3A_192, %dma_start3A_193] : memref<4x128x32xbf16, #tpu.memory_space<vmem>> -> memref<1x128x32xbf16, #tpu.memory_space<vmem>>
          %dma_start3A_195 = tpu.memref_squeeze %dma_start3A_194 : memref<1x128x32xbf16, #tpu.memory_space<vmem>> -> memref<128x32xbf16, #tpu.memory_space<vmem>>
          %dma_start3A_196 = arith.constant 0 : i32
          %dma_start3A_197 = tpu.memref_slice %arg8[%add3A_168, %dma_start3A_196] : memref<84x128xi32, #tpu.memory_space<vmem>> -> memref<1x128xi32, #tpu.memory_space<vmem>>
          %dma_start3A_198 = tpu.memref_squeeze %dma_start3A_197 : memref<1x128xi32, #tpu.memory_space<vmem>> -> memref<128xi32, #tpu.memory_space<vmem>>
          %dma_start3A_199 = arith.constant 0 : i32
          %dma_start3A_200 = arith.constant 0 : i32
          %dma_start3A_201 = tpu.memref_slice %arg10[%dma_start3A_199, %dma_start3A_200] : memref<10112x32xbf16, #tpu.memory_space<vmem_shared>> -> memref<10112x32xbf16, #tpu.memory_space<vmem_shared>>
          tpu.enqueue_indirect_dma source(%dma_start3A_195 : memref<128x32xbf16, #tpu.memory_space<vmem>>) target(%dma_start3A_201 : memref<10112x32xbf16, #tpu.memory_space<vmem_shared>>) offsets(%dma_start3A_198 : memref<128xi32, #tpu.memory_space<vmem>>) semaphore(%run_scoped3A_191 : memref<!tpu.dma_semaphore, #tpu.memory_space<semaphore_mem>>) {add = true}
          %dma_wait3A_202 = arith.constant 0 : i32
          %dma_wait3A_203 = arith.constant 0 : i32
          %dma_wait3A_204 = tpu.memref_slice %arg9[%run_scoped3A_183, %dma_wait3A_202, %dma_wait3A_203] : memref<4x128x32xbf16, #tpu.memory_space<vmem>> -> memref<1x128x32xbf16, #tpu.memory_space<vmem>>
          %dma_wait3A_205 = tpu.memref_squeeze %dma_wait3A_204 : memref<1x128x32xbf16, #tpu.memory_space<vmem>> -> memref<128x32xbf16, #tpu.memory_space<vmem>>
          %dma_wait3A_206 = arith.constant 0 : i32
          %dma_wait3A_207 = tpu.memref_slice %arg8[%add3A_168, %dma_wait3A_206] : memref<84x128xi32, #tpu.memory_space<vmem>> -> memref<1x128xi32, #tpu.memory_space<vmem>>
          %dma_wait3A_208 = tpu.memref_squeeze %dma_wait3A_207 : memref<1x128xi32, #tpu.memory_space<vmem>> -> memref<128xi32, #tpu.memory_space<vmem>>
          %dma_wait3A_209 = arith.constant 0 : i32
          %dma_wait3A_210 = arith.constant 0 : i32
          %dma_wait3A_211 = tpu.memref_slice %arg10[%dma_wait3A_209, %dma_wait3A_210] : memref<10112x32xbf16, #tpu.memory_space<vmem_shared>> -> memref<10112x32xbf16, #tpu.memory_space<vmem_shared>>
          tpu.wait_indirect_dma semaphore(%run_scoped3A_191 : memref<!tpu.dma_semaphore, #tpu.memory_space<semaphore_mem>>) src(%dma_wait3A_205 : memref<128x32xbf16, #tpu.memory_space<vmem>>) dst(%dma_wait3A_211 : memref<10112x32xbf16, #tpu.memory_space<vmem_shared>>)
          tpu.yield
        }) : () -> ()
        %add3A_184 = arith.constant 4 : i32
        %add3A_185 = arith.addi %add3A_168, %add3A_184 : i32
        %lt3A_186 = arith.constant 84 : i32
        %lt3A_187 = arith.cmpi slt, %add3A_185, %lt3A_186 : i32
        %convert_element_type3A_188 = arith.extui %lt3A_187 : i1 to i32
        %cond3A_189 = arith.constant 0 : i32
        %cond3A_190 = arith.cmpi ne, %convert_element_type3A_188, %cond3A_189 : i32
        scf.if %cond3A_190 {
          %add3A_191 = arith.constant 4 : i32
          %add3A_192 = arith.addi %add3A_168, %add3A_191 : i32
          %dma_start3A_193 = arith.constant 3 : i32
          %dma_start3A_194 = arith.constant 3 : i32
          %dma_start3A_195 = arith.constant 0 : i32
          %dma_start3A_196 = arith.constant 0 : i32
          %dma_start3A_197 = tpu.memref_slice %arg9[%dma_start3A_193, %dma_start3A_195, %dma_start3A_196] : memref<4x128x32xbf16, #tpu.memory_space<vmem>> -> memref<1x128x32xbf16, #tpu.memory_space<vmem>>
          %dma_start3A_198 = tpu.memref_squeeze %dma_start3A_197 : memref<1x128x32xbf16, #tpu.memory_space<vmem>> -> memref<128x32xbf16, #tpu.memory_space<vmem>>
          %dma_start3A_199 = arith.constant 0 : i32
          %dma_start3A_200 = tpu.memref_slice %arg7[%add3A_192, %dma_start3A_199] : memref<84x128xi32, #tpu.memory_space<vmem>> -> memref<1x128xi32, #tpu.memory_space<vmem>>
          %dma_start3A_201 = tpu.memref_squeeze %dma_start3A_200 : memref<1x128xi32, #tpu.memory_space<vmem>> -> memref<128xi32, #tpu.memory_space<vmem>>
          %dma_start3A_202 = arith.constant 0 : i32
          %dma_start3A_203 = arith.constant 0 : i32
          %dma_start3A_204 = tpu.memref_slice %arg11[%dma_start3A_202, %dma_start3A_203] : memref<10112x32xbf16, #tpu.memory_space<vmem_shared>> -> memref<10112x32xbf16, #tpu.memory_space<vmem_shared>>
          %dma_start3A_205 = tpu.memref_slice %arg12[%dma_start3A_194] : memref<4x!tpu.dma_semaphore, #tpu.memory_space<semaphore_mem>> -> memref<1x!tpu.dma_semaphore, #tpu.memory_space<semaphore_mem>>
          %dma_start3A_206 = tpu.memref_squeeze %dma_start3A_205 : memref<1x!tpu.dma_semaphore, #tpu.memory_space<semaphore_mem>> -> memref<!tpu.dma_semaphore, #tpu.memory_space<semaphore_mem>>
          tpu.enqueue_indirect_dma source(%dma_start3A_204 : memref<10112x32xbf16, #tpu.memory_space<vmem_shared>>) target(%dma_start3A_198 : memref<128x32xbf16, #tpu.memory_space<vmem>>) offsets(%dma_start3A_201 : memref<128xi32, #tpu.memory_space<vmem>>) semaphore(%dma_start3A_206 : memref<!tpu.dma_semaphore, #tpu.memory_space<semaphore_mem>>)
        } else {
        }
      }
      %scan3A_94 = arith.constant 21 : i32
    } else {
    }
    %eq3A_19 = arith.constant 1 : i32
    %eq3A_20 = arith.cmpi eq, %arg0, %eq3A_19 : i32
    %convert_element_type3A_21 = arith.extui %eq3A_20 : i1 to i32
    %cond3A_22 = arith.constant 0 : i32
    %cond3A_23 = arith.cmpi ne, %convert_element_type3A_21, %cond3A_22 : i32
    scf.if %cond3A_23 {
      %dma_start3A = arith.constant 0 : i32
      %dma_start3A_31 = arith.constant 0 : i32
      %dma_start3A_32 = arith.constant 0 : i32
      %dma_start3A_33 = arith.constant 0 : i32
      %dma_start3A_34 = arith.constant 0 : i32
      %dma_start3A_35 = tpu.memref_slice %arg9[%dma_start3A_31, %dma_start3A_33, %dma_start3A_34] : memref<4x128x32xbf16, #tpu.memory_space<vmem>> -> memref<1x128x32xbf16, #tpu.memory_space<vmem>>
      %dma_start3A_36 = tpu.memref_squeeze %dma_start3A_35 : memref<1x128x32xbf16, #tpu.memory_space<vmem>> -> memref<128x32xbf16, #tpu.memory_space<vmem>>
      %dma_start3A_37 = arith.constant 0 : i32
      %dma_start3A_38 = tpu.memref_slice %arg7[%dma_start3A, %dma_start3A_37] : memref<84x128xi32, #tpu.memory_space<vmem>> -> memref<1x128xi32, #tpu.memory_space<vmem>>
      %dma_start3A_39 = tpu.memref_squeeze %dma_start3A_38 : memref<1x128xi32, #tpu.memory_space<vmem>> -> memref<128xi32, #tpu.memory_space<vmem>>
      %dma_start3A_40 = arith.constant 0 : i32
      %dma_start3A_41 = arith.constant 0 : i32
      %dma_start3A_42 = tpu.memref_slice %arg11[%dma_start3A_40, %dma_start3A_41] : memref<10112x32xbf16, #tpu.memory_space<vmem_shared>> -> memref<10112x32xbf16, #tpu.memory_space<vmem_shared>>
      %dma_start3A_43 = tpu.memref_slice %arg12[%dma_start3A_32] : memref<4x!tpu.dma_semaphore, #tpu.memory_space<semaphore_mem>> -> memref<1x!tpu.dma_semaphore, #tpu.memory_space<semaphore_mem>>
      %dma_start3A_44 = tpu.memref_squeeze %dma_start3A_43 : memref<1x!tpu.dma_semaphore, #tpu.memory_space<semaphore_mem>> -> memref<!tpu.dma_semaphore, #tpu.memory_space<semaphore_mem>>
      tpu.enqueue_indirect_dma source(%dma_start3A_42 : memref<10112x32xbf16, #tpu.memory_space<vmem_shared>>) target(%dma_start3A_36 : memref<128x32xbf16, #tpu.memory_space<vmem>>) offsets(%dma_start3A_39 : memref<128xi32, #tpu.memory_space<vmem>>) semaphore(%dma_start3A_44 : memref<!tpu.dma_semaphore, #tpu.memory_space<semaphore_mem>>)
      %dma_start3A_45 = arith.constant 1 : i32
      %dma_start3A_46 = arith.constant 1 : i32
      %dma_start3A_47 = arith.constant 1 : i32
      %dma_start3A_48 = arith.constant 0 : i32
      %dma_start3A_49 = arith.constant 0 : i32
      %dma_start3A_50 = tpu.memref_slice %arg9[%dma_start3A_46, %dma_start3A_48, %dma_start3A_49] : memref<4x128x32xbf16, #tpu.memory_space<vmem>> -> memref<1x128x32xbf16, #tpu.memory_space<vmem>>
      %dma_start3A_51 = tpu.memref_squeeze %dma_start3A_50 : memref<1x128x32xbf16, #tpu.memory_space<vmem>> -> memref<128x32xbf16, #tpu.memory_space<vmem>>
      %dma_start3A_52 = arith.constant 0 : i32
      %dma_start3A_53 = tpu.memref_slice %arg7[%dma_start3A_45, %dma_start3A_52] : memref<84x128xi32, #tpu.memory_space<vmem>> -> memref<1x128xi32, #tpu.memory_space<vmem>>
      %dma_start3A_54 = tpu.memref_squeeze %dma_start3A_53 : memref<1x128xi32, #tpu.memory_space<vmem>> -> memref<128xi32, #tpu.memory_space<vmem>>
      %dma_start3A_55 = arith.constant 0 : i32
      %dma_start3A_56 = arith.constant 0 : i32
      %dma_start3A_57 = tpu.memref_slice %arg11[%dma_start3A_55, %dma_start3A_56] : memref<10112x32xbf16, #tpu.memory_space<vmem_shared>> -> memref<10112x32xbf16, #tpu.memory_space<vmem_shared>>
      %dma_start3A_58 = tpu.memref_slice %arg12[%dma_start3A_47] : memref<4x!tpu.dma_semaphore, #tpu.memory_space<semaphore_mem>> -> memref<1x!tpu.dma_semaphore, #tpu.memory_space<semaphore_mem>>
      %dma_start3A_59 = tpu.memref_squeeze %dma_start3A_58 : memref<1x!tpu.dma_semaphore, #tpu.memory_space<semaphore_mem>> -> memref<!tpu.dma_semaphore, #tpu.memory_space<semaphore_mem>>
      tpu.enqueue_indirect_dma source(%dma_start3A_57 : memref<10112x32xbf16, #tpu.memory_space<vmem_shared>>) target(%dma_start3A_51 : memref<128x32xbf16, #tpu.memory_space<vmem>>) offsets(%dma_start3A_54 : memref<128xi32, #tpu.memory_space<vmem>>) semaphore(%dma_start3A_59 : memref<!tpu.dma_semaphore, #tpu.memory_space<semaphore_mem>>)
      %dma_start3A_60 = arith.constant 2 : i32
      %dma_start3A_61 = arith.constant 2 : i32
      %dma_start3A_62 = arith.constant 2 : i32
      %dma_start3A_63 = arith.constant 0 : i32
      %dma_start3A_64 = arith.constant 0 : i32
      %dma_start3A_65 = tpu.memref_slice %arg9[%dma_start3A_61, %dma_start3A_63, %dma_start3A_64] : memref<4x128x32xbf16, #tpu.memory_space<vmem>> -> memref<1x128x32xbf16, #tpu.memory_space<vmem>>
      %dma_start3A_66 = tpu.memref_squeeze %dma_start3A_65 : memref<1x128x32xbf16, #tpu.memory_space<vmem>> -> memref<128x32xbf16, #tpu.memory_space<vmem>>
      %dma_start3A_67 = arith.constant 0 : i32
      %dma_start3A_68 = tpu.memref_slice %arg7[%dma_start3A_60, %dma_start3A_67] : memref<84x128xi32, #tpu.memory_space<vmem>> -> memref<1x128xi32, #tpu.memory_space<vmem>>
      %dma_start3A_69 = tpu.memref_squeeze %dma_start3A_68 : memref<1x128xi32, #tpu.memory_space<vmem>> -> memref<128xi32, #tpu.memory_space<vmem>>
      %dma_start3A_70 = arith.constant 0 : i32
      %dma_start3A_71 = arith.constant 0 : i32
      %dma_start3A_72 = tpu.memref_slice %arg11[%dma_start3A_70, %dma_start3A_71] : memref<10112x32xbf16, #tpu.memory_space<vmem_shared>> -> memref<10112x32xbf16, #tpu.memory_space<vmem_shared>>
      %dma_start3A_73 = tpu.memref_slice %arg12[%dma_start3A_62] : memref<4x!tpu.dma_semaphore, #tpu.memory_space<semaphore_mem>> -> memref<1x!tpu.dma_semaphore, #tpu.memory_space<semaphore_mem>>
      %dma_start3A_74 = tpu.memref_squeeze %dma_start3A_73 : memref<1x!tpu.dma_semaphore, #tpu.memory_space<semaphore_mem>> -> memref<!tpu.dma_semaphore, #tpu.memory_space<semaphore_mem>>
      tpu.enqueue_indirect_dma source(%dma_start3A_72 : memref<10112x32xbf16, #tpu.memory_space<vmem_shared>>) target(%dma_start3A_66 : memref<128x32xbf16, #tpu.memory_space<vmem>>) offsets(%dma_start3A_69 : memref<128xi32, #tpu.memory_space<vmem>>) semaphore(%dma_start3A_74 : memref<!tpu.dma_semaphore, #tpu.memory_space<semaphore_mem>>)
      %dma_start3A_75 = arith.constant 3 : i32
      %dma_start3A_76 = arith.constant 3 : i32
      %dma_start3A_77 = arith.constant 3 : i32
      %dma_start3A_78 = arith.constant 0 : i32
      %dma_start3A_79 = arith.constant 0 : i32
      %dma_start3A_80 = tpu.memref_slice %arg9[%dma_start3A_76, %dma_start3A_78, %dma_start3A_79] : memref<4x128x32xbf16, #tpu.memory_space<vmem>> -> memref<1x128x32xbf16, #tpu.memory_space<vmem>>
      %dma_start3A_81 = tpu.memref_squeeze %dma_start3A_80 : memref<1x128x32xbf16, #tpu.memory_space<vmem>> -> memref<128x32xbf16, #tpu.memory_space<vmem>>
      %dma_start3A_82 = arith.constant 0 : i32
      %dma_start3A_83 = tpu.memref_slice %arg7[%dma_start3A_75, %dma_start3A_82] : memref<84x128xi32, #tpu.memory_space<vmem>> -> memref<1x128xi32, #tpu.memory_space<vmem>>
      %dma_start3A_84 = tpu.memref_squeeze %dma_start3A_83 : memref<1x128xi32, #tpu.memory_space<vmem>> -> memref<128xi32, #tpu.memory_space<vmem>>
      %dma_start3A_85 = arith.constant 0 : i32
      %dma_start3A_86 = arith.constant 0 : i32
      %dma_start3A_87 = tpu.memref_slice %arg11[%dma_start3A_85, %dma_start3A_86] : memref<10112x32xbf16, #tpu.memory_space<vmem_shared>> -> memref<10112x32xbf16, #tpu.memory_space<vmem_shared>>
      %dma_start3A_88 = tpu.memref_slice %arg12[%dma_start3A_77] : memref<4x!tpu.dma_semaphore, #tpu.memory_space<semaphore_mem>> -> memref<1x!tpu.dma_semaphore, #tpu.memory_space<semaphore_mem>>
      %dma_start3A_89 = tpu.memref_squeeze %dma_start3A_88 : memref<1x!tpu.dma_semaphore, #tpu.memory_space<semaphore_mem>> -> memref<!tpu.dma_semaphore, #tpu.memory_space<semaphore_mem>>
      tpu.enqueue_indirect_dma source(%dma_start3A_87 : memref<10112x32xbf16, #tpu.memory_space<vmem_shared>>) target(%dma_start3A_81 : memref<128x32xbf16, #tpu.memory_space<vmem>>) offsets(%dma_start3A_84 : memref<128xi32, #tpu.memory_space<vmem>>) semaphore(%dma_start3A_89 : memref<!tpu.dma_semaphore, #tpu.memory_space<semaphore_mem>>)
      %scan3A = arith.constant 0 : i32
      %scan3A_90 = arith.constant 0 : i32
      %scan3A_91 = arith.constant 19 : i32
      %scan3A_92 = arith.addi %scan3A_90, %scan3A_91 : i32
      %scan3A_93 = arith.constant 1 : i32
      scf.for %scan3A_95 = %scan3A_90 to %scan3A_92 step %scan3A_93  : i32 {
        %mul3A_96 = arith.constant 4 : i32
        %mul3A_97 = arith.muli %scan3A_95, %mul3A_96 : i32
        %add3A_98 = arith.constant 0 : i32
        %add3A_99 = arith.addi %mul3A_97, %add3A_98 : i32
        %dma_wait3A = arith.constant 0 : i32
        %dma_wait3A_100 = arith.constant 0 : i32
        %dma_wait3A_101 = arith.constant 0 : i32
        %dma_wait3A_102 = arith.constant 0 : i32
        %dma_wait3A_103 = tpu.memref_slice %arg9[%dma_wait3A, %dma_wait3A_101, %dma_wait3A_102] : memref<4x128x32xbf16, #tpu.memory_space<vmem>> -> memref<1x128x32xbf16, #tpu.memory_space<vmem>>
        %dma_wait3A_104 = tpu.memref_squeeze %dma_wait3A_103 : memref<1x128x32xbf16, #tpu.memory_space<vmem>> -> memref<128x32xbf16, #tpu.memory_space<vmem>>
        %dma_wait3A_105 = arith.constant 0 : i32
        %dma_wait3A_106 = tpu.memref_slice %arg7[%add3A_99, %dma_wait3A_105] : memref<84x128xi32, #tpu.memory_space<vmem>> -> memref<1x128xi32, #tpu.memory_space<vmem>>
        %dma_wait3A_107 = tpu.memref_squeeze %dma_wait3A_106 : memref<1x128xi32, #tpu.memory_space<vmem>> -> memref<128xi32, #tpu.memory_space<vmem>>
        %dma_wait3A_108 = arith.constant 0 : i32
        %dma_wait3A_109 = arith.constant 0 : i32
        %dma_wait3A_110 = tpu.memref_slice %arg11[%dma_wait3A_108, %dma_wait3A_109] : memref<10112x32xbf16, #tpu.memory_space<vmem_shared>> -> memref<10112x32xbf16, #tpu.memory_space<vmem_shared>>
        %dma_wait3A_111 = tpu.memref_slice %arg12[%dma_wait3A_100] : memref<4x!tpu.dma_semaphore, #tpu.memory_space<semaphore_mem>> -> memref<1x!tpu.dma_semaphore, #tpu.memory_space<semaphore_mem>>
        %dma_wait3A_112 = tpu.memref_squeeze %dma_wait3A_111 : memref<1x!tpu.dma_semaphore, #tpu.memory_space<semaphore_mem>> -> memref<!tpu.dma_semaphore, #tpu.memory_space<semaphore_mem>>
        tpu.wait_indirect_dma semaphore(%dma_wait3A_112 : memref<!tpu.dma_semaphore, #tpu.memory_space<semaphore_mem>>) src(%dma_wait3A_110 : memref<10112x32xbf16, #tpu.memory_space<vmem_shared>>) dst(%dma_wait3A_104 : memref<128x32xbf16, #tpu.memory_space<vmem>>)
        %run_scoped3A = arith.constant 0 : i32
        "tpu.region"() ({
          %run_scoped3A_191 = tpu.sem_alloc : memref<!tpu.dma_semaphore, #tpu.memory_space<semaphore_mem>>
          %dma_start3A_192 = arith.constant 0 : i32
          %dma_start3A_193 = arith.constant 0 : i32
          %dma_start3A_194 = tpu.memref_slice %arg9[%run_scoped3A, %dma_start3A_192, %dma_start3A_193] : memref<4x128x32xbf16, #tpu.memory_space<vmem>> -> memref<1x128x32xbf16, #tpu.memory_space<vmem>>
          %dma_start3A_195 = tpu.memref_squeeze %dma_start3A_194 : memref<1x128x32xbf16, #tpu.memory_space<vmem>> -> memref<128x32xbf16, #tpu.memory_space<vmem>>
          %dma_start3A_196 = arith.constant 0 : i32
          %dma_start3A_197 = tpu.memref_slice %arg8[%add3A_99, %dma_start3A_196] : memref<84x128xi32, #tpu.memory_space<vmem>> -> memref<1x128xi32, #tpu.memory_space<vmem>>
          %dma_start3A_198 = tpu.memref_squeeze %dma_start3A_197 : memref<1x128xi32, #tpu.memory_space<vmem>> -> memref<128xi32, #tpu.memory_space<vmem>>
          %dma_start3A_199 = arith.constant 0 : i32
          %dma_start3A_200 = arith.constant 0 : i32
          %dma_start3A_201 = tpu.memref_slice %arg10[%dma_start3A_199, %dma_start3A_200] : memref<10112x32xbf16, #tpu.memory_space<vmem_shared>> -> memref<10112x32xbf16, #tpu.memory_space<vmem_shared>>
          tpu.enqueue_indirect_dma source(%dma_start3A_195 : memref<128x32xbf16, #tpu.memory_space<vmem>>) target(%dma_start3A_201 : memref<10112x32xbf16, #tpu.memory_space<vmem_shared>>) offsets(%dma_start3A_198 : memref<128xi32, #tpu.memory_space<vmem>>) semaphore(%run_scoped3A_191 : memref<!tpu.dma_semaphore, #tpu.memory_space<semaphore_mem>>) {add = true}
          %dma_wait3A_202 = arith.constant 0 : i32
          %dma_wait3A_203 = arith.constant 0 : i32
          %dma_wait3A_204 = tpu.memref_slice %arg9[%run_scoped3A, %dma_wait3A_202, %dma_wait3A_203] : memref<4x128x32xbf16, #tpu.memory_space<vmem>> -> memref<1x128x32xbf16, #tpu.memory_space<vmem>>
          %dma_wait3A_205 = tpu.memref_squeeze %dma_wait3A_204 : memref<1x128x32xbf16, #tpu.memory_space<vmem>> -> memref<128x32xbf16, #tpu.memory_space<vmem>>
          %dma_wait3A_206 = arith.constant 0 : i32
          %dma_wait3A_207 = tpu.memref_slice %arg8[%add3A_99, %dma_wait3A_206] : memref<84x128xi32, #tpu.memory_space<vmem>> -> memref<1x128xi32, #tpu.memory_space<vmem>>
          %dma_wait3A_208 = tpu.memref_squeeze %dma_wait3A_207 : memref<1x128xi32, #tpu.memory_space<vmem>> -> memref<128xi32, #tpu.memory_space<vmem>>
          %dma_wait3A_209 = arith.constant 0 : i32
          %dma_wait3A_210 = arith.constant 0 : i32
          %dma_wait3A_211 = tpu.memref_slice %arg10[%dma_wait3A_209, %dma_wait3A_210] : memref<10112x32xbf16, #tpu.memory_space<vmem_shared>> -> memref<10112x32xbf16, #tpu.memory_space<vmem_shared>>
          tpu.wait_indirect_dma semaphore(%run_scoped3A_191 : memref<!tpu.dma_semaphore, #tpu.memory_space<semaphore_mem>>) src(%dma_wait3A_205 : memref<128x32xbf16, #tpu.memory_space<vmem>>) dst(%dma_wait3A_211 : memref<10112x32xbf16, #tpu.memory_space<vmem_shared>>)
          tpu.yield
        }) : () -> ()
        %add3A_113 = arith.constant 4 : i32
        %add3A_114 = arith.addi %add3A_99, %add3A_113 : i32
        %lt3A = arith.constant 76 : i32
        %lt3A_115 = arith.cmpi slt, %add3A_114, %lt3A : i32
        %convert_element_type3A_116 = arith.extui %lt3A_115 : i1 to i32
        %cond3A_117 = arith.constant 0 : i32
        %cond3A_118 = arith.cmpi ne, %convert_element_type3A_116, %cond3A_117 : i32
        scf.if %cond3A_118 {
          %add3A_191 = arith.constant 4 : i32
          %add3A_192 = arith.addi %add3A_99, %add3A_191 : i32
          %dma_start3A_193 = arith.constant 0 : i32
          %dma_start3A_194 = arith.constant 0 : i32
          %dma_start3A_195 = arith.constant 0 : i32
          %dma_start3A_196 = arith.constant 0 : i32
          %dma_start3A_197 = tpu.memref_slice %arg9[%dma_start3A_193, %dma_start3A_195, %dma_start3A_196] : memref<4x128x32xbf16, #tpu.memory_space<vmem>> -> memref<1x128x32xbf16, #tpu.memory_space<vmem>>
          %dma_start3A_198 = tpu.memref_squeeze %dma_start3A_197 : memref<1x128x32xbf16, #tpu.memory_space<vmem>> -> memref<128x32xbf16, #tpu.memory_space<vmem>>
          %dma_start3A_199 = arith.constant 0 : i32
          %dma_start3A_200 = tpu.memref_slice %arg7[%add3A_192, %dma_start3A_199] : memref<84x128xi32, #tpu.memory_space<vmem>> -> memref<1x128xi32, #tpu.memory_space<vmem>>
          %dma_start3A_201 = tpu.memref_squeeze %dma_start3A_200 : memref<1x128xi32, #tpu.memory_space<vmem>> -> memref<128xi32, #tpu.memory_space<vmem>>
          %dma_start3A_202 = arith.constant 0 : i32
          %dma_start3A_203 = arith.constant 0 : i32
          %dma_start3A_204 = tpu.memref_slice %arg11[%dma_start3A_202, %dma_start3A_203] : memref<10112x32xbf16, #tpu.memory_space<vmem_shared>> -> memref<10112x32xbf16, #tpu.memory_space<vmem_shared>>
          %dma_start3A_205 = tpu.memref_slice %arg12[%dma_start3A_194] : memref<4x!tpu.dma_semaphore, #tpu.memory_space<semaphore_mem>> -> memref<1x!tpu.dma_semaphore, #tpu.memory_space<semaphore_mem>>
          %dma_start3A_206 = tpu.memref_squeeze %dma_start3A_205 : memref<1x!tpu.dma_semaphore, #tpu.memory_space<semaphore_mem>> -> memref<!tpu.dma_semaphore, #tpu.memory_space<semaphore_mem>>
          tpu.enqueue_indirect_dma source(%dma_start3A_204 : memref<10112x32xbf16, #tpu.memory_space<vmem_shared>>) target(%dma_start3A_198 : memref<128x32xbf16, #tpu.memory_space<vmem>>) offsets(%dma_start3A_201 : memref<128xi32, #tpu.memory_space<vmem>>) semaphore(%dma_start3A_206 : memref<!tpu.dma_semaphore, #tpu.memory_space<semaphore_mem>>)
        } else {
        }
        %add3A_119 = arith.constant 1 : i32
        %add3A_120 = arith.addi %mul3A_97, %add3A_119 : i32
        %dma_wait3A_121 = arith.constant 1 : i32
        %dma_wait3A_122 = arith.constant 1 : i32
        %dma_wait3A_123 = arith.constant 0 : i32
        %dma_wait3A_124 = arith.constant 0 : i32
        %dma_wait3A_125 = tpu.memref_slice %arg9[%dma_wait3A_121, %dma_wait3A_123, %dma_wait3A_124] : memref<4x128x32xbf16, #tpu.memory_space<vmem>> -> memref<1x128x32xbf16, #tpu.memory_space<vmem>>
        %dma_wait3A_126 = tpu.memref_squeeze %dma_wait3A_125 : memref<1x128x32xbf16, #tpu.memory_space<vmem>> -> memref<128x32xbf16, #tpu.memory_space<vmem>>
        %dma_wait3A_127 = arith.constant 0 : i32
        %dma_wait3A_128 = tpu.memref_slice %arg7[%add3A_120, %dma_wait3A_127] : memref<84x128xi32, #tpu.memory_space<vmem>> -> memref<1x128xi32, #tpu.memory_space<vmem>>
        %dma_wait3A_129 = tpu.memref_squeeze %dma_wait3A_128 : memref<1x128xi32, #tpu.memory_space<vmem>> -> memref<128xi32, #tpu.memory_space<vmem>>
        %dma_wait3A_130 = arith.constant 0 : i32
        %dma_wait3A_131 = arith.constant 0 : i32
        %dma_wait3A_132 = tpu.memref_slice %arg11[%dma_wait3A_130, %dma_wait3A_131] : memref<10112x32xbf16, #tpu.memory_space<vmem_shared>> -> memref<10112x32xbf16, #tpu.memory_space<vmem_shared>>
        %dma_wait3A_133 = tpu.memref_slice %arg12[%dma_wait3A_122] : memref<4x!tpu.dma_semaphore, #tpu.memory_space<semaphore_mem>> -> memref<1x!tpu.dma_semaphore, #tpu.memory_space<semaphore_mem>>
        %dma_wait3A_134 = tpu.memref_squeeze %dma_wait3A_133 : memref<1x!tpu.dma_semaphore, #tpu.memory_space<semaphore_mem>> -> memref<!tpu.dma_semaphore, #tpu.memory_space<semaphore_mem>>
        tpu.wait_indirect_dma semaphore(%dma_wait3A_134 : memref<!tpu.dma_semaphore, #tpu.memory_space<semaphore_mem>>) src(%dma_wait3A_132 : memref<10112x32xbf16, #tpu.memory_space<vmem_shared>>) dst(%dma_wait3A_126 : memref<128x32xbf16, #tpu.memory_space<vmem>>)
        %run_scoped3A_135 = arith.constant 1 : i32
        "tpu.region"() ({
          %run_scoped3A_191 = tpu.sem_alloc : memref<!tpu.dma_semaphore, #tpu.memory_space<semaphore_mem>>
          %dma_start3A_192 = arith.constant 0 : i32
          %dma_start3A_193 = arith.constant 0 : i32
          %dma_start3A_194 = tpu.memref_slice %arg9[%run_scoped3A_135, %dma_start3A_192, %dma_start3A_193] : memref<4x128x32xbf16, #tpu.memory_space<vmem>> -> memref<1x128x32xbf16, #tpu.memory_space<vmem>>
          %dma_start3A_195 = tpu.memref_squeeze %dma_start3A_194 : memref<1x128x32xbf16, #tpu.memory_space<vmem>> -> memref<128x32xbf16, #tpu.memory_space<vmem>>
          %dma_start3A_196 = arith.constant 0 : i32
          %dma_start3A_197 = tpu.memref_slice %arg8[%add3A_120, %dma_start3A_196] : memref<84x128xi32, #tpu.memory_space<vmem>> -> memref<1x128xi32, #tpu.memory_space<vmem>>
          %dma_start3A_198 = tpu.memref_squeeze %dma_start3A_197 : memref<1x128xi32, #tpu.memory_space<vmem>> -> memref<128xi32, #tpu.memory_space<vmem>>
          %dma_start3A_199 = arith.constant 0 : i32
          %dma_start3A_200 = arith.constant 0 : i32
          %dma_start3A_201 = tpu.memref_slice %arg10[%dma_start3A_199, %dma_start3A_200] : memref<10112x32xbf16, #tpu.memory_space<vmem_shared>> -> memref<10112x32xbf16, #tpu.memory_space<vmem_shared>>
          tpu.enqueue_indirect_dma source(%dma_start3A_195 : memref<128x32xbf16, #tpu.memory_space<vmem>>) target(%dma_start3A_201 : memref<10112x32xbf16, #tpu.memory_space<vmem_shared>>) offsets(%dma_start3A_198 : memref<128xi32, #tpu.memory_space<vmem>>) semaphore(%run_scoped3A_191 : memref<!tpu.dma_semaphore, #tpu.memory_space<semaphore_mem>>) {add = true}
          %dma_wait3A_202 = arith.constant 0 : i32
          %dma_wait3A_203 = arith.constant 0 : i32
          %dma_wait3A_204 = tpu.memref_slice %arg9[%run_scoped3A_135, %dma_wait3A_202, %dma_wait3A_203] : memref<4x128x32xbf16, #tpu.memory_space<vmem>> -> memref<1x128x32xbf16, #tpu.memory_space<vmem>>
          %dma_wait3A_205 = tpu.memref_squeeze %dma_wait3A_204 : memref<1x128x32xbf16, #tpu.memory_space<vmem>> -> memref<128x32xbf16, #tpu.memory_space<vmem>>
          %dma_wait3A_206 = arith.constant 0 : i32
          %dma_wait3A_207 = tpu.memref_slice %arg8[%add3A_120, %dma_wait3A_206] : memref<84x128xi32, #tpu.memory_space<vmem>> -> memref<1x128xi32, #tpu.memory_space<vmem>>
          %dma_wait3A_208 = tpu.memref_squeeze %dma_wait3A_207 : memref<1x128xi32, #tpu.memory_space<vmem>> -> memref<128xi32, #tpu.memory_space<vmem>>
          %dma_wait3A_209 = arith.constant 0 : i32
          %dma_wait3A_210 = arith.constant 0 : i32
          %dma_wait3A_211 = tpu.memref_slice %arg10[%dma_wait3A_209, %dma_wait3A_210] : memref<10112x32xbf16, #tpu.memory_space<vmem_shared>> -> memref<10112x32xbf16, #tpu.memory_space<vmem_shared>>
          tpu.wait_indirect_dma semaphore(%run_scoped3A_191 : memref<!tpu.dma_semaphore, #tpu.memory_space<semaphore_mem>>) src(%dma_wait3A_205 : memref<128x32xbf16, #tpu.memory_space<vmem>>) dst(%dma_wait3A_211 : memref<10112x32xbf16, #tpu.memory_space<vmem_shared>>)
          tpu.yield
        }) : () -> ()
        %add3A_136 = arith.constant 4 : i32
        %add3A_137 = arith.addi %add3A_120, %add3A_136 : i32
        %lt3A_138 = arith.constant 76 : i32
        %lt3A_139 = arith.cmpi slt, %add3A_137, %lt3A_138 : i32
        %convert_element_type3A_140 = arith.extui %lt3A_139 : i1 to i32
        %cond3A_141 = arith.constant 0 : i32
        %cond3A_142 = arith.cmpi ne, %convert_element_type3A_140, %cond3A_141 : i32
        scf.if %cond3A_142 {
          %add3A_191 = arith.constant 4 : i32
          %add3A_192 = arith.addi %add3A_120, %add3A_191 : i32
          %dma_start3A_193 = arith.constant 1 : i32
          %dma_start3A_194 = arith.constant 1 : i32
          %dma_start3A_195 = arith.constant 0 : i32
          %dma_start3A_196 = arith.constant 0 : i32
          %dma_start3A_197 = tpu.memref_slice %arg9[%dma_start3A_193, %dma_start3A_195, %dma_start3A_196] : memref<4x128x32xbf16, #tpu.memory_space<vmem>> -> memref<1x128x32xbf16, #tpu.memory_space<vmem>>
          %dma_start3A_198 = tpu.memref_squeeze %dma_start3A_197 : memref<1x128x32xbf16, #tpu.memory_space<vmem>> -> memref<128x32xbf16, #tpu.memory_space<vmem>>
          %dma_start3A_199 = arith.constant 0 : i32
          %dma_start3A_200 = tpu.memref_slice %arg7[%add3A_192, %dma_start3A_199] : memref<84x128xi32, #tpu.memory_space<vmem>> -> memref<1x128xi32, #tpu.memory_space<vmem>>
          %dma_start3A_201 = tpu.memref_squeeze %dma_start3A_200 : memref<1x128xi32, #tpu.memory_space<vmem>> -> memref<128xi32, #tpu.memory_space<vmem>>
          %dma_start3A_202 = arith.constant 0 : i32
          %dma_start3A_203 = arith.constant 0 : i32
          %dma_start3A_204 = tpu.memref_slice %arg11[%dma_start3A_202, %dma_start3A_203] : memref<10112x32xbf16, #tpu.memory_space<vmem_shared>> -> memref<10112x32xbf16, #tpu.memory_space<vmem_shared>>
          %dma_start3A_205 = tpu.memref_slice %arg12[%dma_start3A_194] : memref<4x!tpu.dma_semaphore, #tpu.memory_space<semaphore_mem>> -> memref<1x!tpu.dma_semaphore, #tpu.memory_space<semaphore_mem>>
          %dma_start3A_206 = tpu.memref_squeeze %dma_start3A_205 : memref<1x!tpu.dma_semaphore, #tpu.memory_space<semaphore_mem>> -> memref<!tpu.dma_semaphore, #tpu.memory_space<semaphore_mem>>
          tpu.enqueue_indirect_dma source(%dma_start3A_204 : memref<10112x32xbf16, #tpu.memory_space<vmem_shared>>) target(%dma_start3A_198 : memref<128x32xbf16, #tpu.memory_space<vmem>>) offsets(%dma_start3A_201 : memref<128xi32, #tpu.memory_space<vmem>>) semaphore(%dma_start3A_206 : memref<!tpu.dma_semaphore, #tpu.memory_space<semaphore_mem>>)
        } else {
        }
        %add3A_143 = arith.constant 2 : i32
        %add3A_144 = arith.addi %mul3A_97, %add3A_143 : i32
        %dma_wait3A_145 = arith.constant 2 : i32
        %dma_wait3A_146 = arith.constant 2 : i32
        %dma_wait3A_147 = arith.constant 0 : i32
        %dma_wait3A_148 = arith.constant 0 : i32
        %dma_wait3A_149 = tpu.memref_slice %arg9[%dma_wait3A_145, %dma_wait3A_147, %dma_wait3A_148] : memref<4x128x32xbf16, #tpu.memory_space<vmem>> -> memref<1x128x32xbf16, #tpu.memory_space<vmem>>
        %dma_wait3A_150 = tpu.memref_squeeze %dma_wait3A_149 : memref<1x128x32xbf16, #tpu.memory_space<vmem>> -> memref<128x32xbf16, #tpu.memory_space<vmem>>
        %dma_wait3A_151 = arith.constant 0 : i32
        %dma_wait3A_152 = tpu.memref_slice %arg7[%add3A_144, %dma_wait3A_151] : memref<84x128xi32, #tpu.memory_space<vmem>> -> memref<1x128xi32, #tpu.memory_space<vmem>>
        %dma_wait3A_153 = tpu.memref_squeeze %dma_wait3A_152 : memref<1x128xi32, #tpu.memory_space<vmem>> -> memref<128xi32, #tpu.memory_space<vmem>>
        %dma_wait3A_154 = arith.constant 0 : i32
        %dma_wait3A_155 = arith.constant 0 : i32
        %dma_wait3A_156 = tpu.memref_slice %arg11[%dma_wait3A_154, %dma_wait3A_155] : memref<10112x32xbf16, #tpu.memory_space<vmem_shared>> -> memref<10112x32xbf16, #tpu.memory_space<vmem_shared>>
        %dma_wait3A_157 = tpu.memref_slice %arg12[%dma_wait3A_146] : memref<4x!tpu.dma_semaphore, #tpu.memory_space<semaphore_mem>> -> memref<1x!tpu.dma_semaphore, #tpu.memory_space<semaphore_mem>>
        %dma_wait3A_158 = tpu.memref_squeeze %dma_wait3A_157 : memref<1x!tpu.dma_semaphore, #tpu.memory_space<semaphore_mem>> -> memref<!tpu.dma_semaphore, #tpu.memory_space<semaphore_mem>>
        tpu.wait_indirect_dma semaphore(%dma_wait3A_158 : memref<!tpu.dma_semaphore, #tpu.memory_space<semaphore_mem>>) src(%dma_wait3A_156 : memref<10112x32xbf16, #tpu.memory_space<vmem_shared>>) dst(%dma_wait3A_150 : memref<128x32xbf16, #tpu.memory_space<vmem>>)
        %run_scoped3A_159 = arith.constant 2 : i32
        "tpu.region"() ({
          %run_scoped3A_191 = tpu.sem_alloc : memref<!tpu.dma_semaphore, #tpu.memory_space<semaphore_mem>>
          %dma_start3A_192 = arith.constant 0 : i32
          %dma_start3A_193 = arith.constant 0 : i32
          %dma_start3A_194 = tpu.memref_slice %arg9[%run_scoped3A_159, %dma_start3A_192, %dma_start3A_193] : memref<4x128x32xbf16, #tpu.memory_space<vmem>> -> memref<1x128x32xbf16, #tpu.memory_space<vmem>>
          %dma_start3A_195 = tpu.memref_squeeze %dma_start3A_194 : memref<1x128x32xbf16, #tpu.memory_space<vmem>> -> memref<128x32xbf16, #tpu.memory_space<vmem>>
          %dma_start3A_196 = arith.constant 0 : i32
          %dma_start3A_197 = tpu.memref_slice %arg8[%add3A_144, %dma_start3A_196] : memref<84x128xi32, #tpu.memory_space<vmem>> -> memref<1x128xi32, #tpu.memory_space<vmem>>
          %dma_start3A_198 = tpu.memref_squeeze %dma_start3A_197 : memref<1x128xi32, #tpu.memory_space<vmem>> -> memref<128xi32, #tpu.memory_space<vmem>>
          %dma_start3A_199 = arith.constant 0 : i32
          %dma_start3A_200 = arith.constant 0 : i32
          %dma_start3A_201 = tpu.memref_slice %arg10[%dma_start3A_199, %dma_start3A_200] : memref<10112x32xbf16, #tpu.memory_space<vmem_shared>> -> memref<10112x32xbf16, #tpu.memory_space<vmem_shared>>
          tpu.enqueue_indirect_dma source(%dma_start3A_195 : memref<128x32xbf16, #tpu.memory_space<vmem>>) target(%dma_start3A_201 : memref<10112x32xbf16, #tpu.memory_space<vmem_shared>>) offsets(%dma_start3A_198 : memref<128xi32, #tpu.memory_space<vmem>>) semaphore(%run_scoped3A_191 : memref<!tpu.dma_semaphore, #tpu.memory_space<semaphore_mem>>) {add = true}
          %dma_wait3A_202 = arith.constant 0 : i32
          %dma_wait3A_203 = arith.constant 0 : i32
          %dma_wait3A_204 = tpu.memref_slice %arg9[%run_scoped3A_159, %dma_wait3A_202, %dma_wait3A_203] : memref<4x128x32xbf16, #tpu.memory_space<vmem>> -> memref<1x128x32xbf16, #tpu.memory_space<vmem>>
          %dma_wait3A_205 = tpu.memref_squeeze %dma_wait3A_204 : memref<1x128x32xbf16, #tpu.memory_space<vmem>> -> memref<128x32xbf16, #tpu.memory_space<vmem>>
          %dma_wait3A_206 = arith.constant 0 : i32
          %dma_wait3A_207 = tpu.memref_slice %arg8[%add3A_144, %dma_wait3A_206] : memref<84x128xi32, #tpu.memory_space<vmem>> -> memref<1x128xi32, #tpu.memory_space<vmem>>
          %dma_wait3A_208 = tpu.memref_squeeze %dma_wait3A_207 : memref<1x128xi32, #tpu.memory_space<vmem>> -> memref<128xi32, #tpu.memory_space<vmem>>
          %dma_wait3A_209 = arith.constant 0 : i32
          %dma_wait3A_210 = arith.constant 0 : i32
          %dma_wait3A_211 = tpu.memref_slice %arg10[%dma_wait3A_209, %dma_wait3A_210] : memref<10112x32xbf16, #tpu.memory_space<vmem_shared>> -> memref<10112x32xbf16, #tpu.memory_space<vmem_shared>>
          tpu.wait_indirect_dma semaphore(%run_scoped3A_191 : memref<!tpu.dma_semaphore, #tpu.memory_space<semaphore_mem>>) src(%dma_wait3A_205 : memref<128x32xbf16, #tpu.memory_space<vmem>>) dst(%dma_wait3A_211 : memref<10112x32xbf16, #tpu.memory_space<vmem_shared>>)
          tpu.yield
        }) : () -> ()
        %add3A_160 = arith.constant 4 : i32
        %add3A_161 = arith.addi %add3A_144, %add3A_160 : i32
        %lt3A_162 = arith.constant 76 : i32
        %lt3A_163 = arith.cmpi slt, %add3A_161, %lt3A_162 : i32
        %convert_element_type3A_164 = arith.extui %lt3A_163 : i1 to i32
        %cond3A_165 = arith.constant 0 : i32
        %cond3A_166 = arith.cmpi ne, %convert_element_type3A_164, %cond3A_165 : i32
        scf.if %cond3A_166 {
          %add3A_191 = arith.constant 4 : i32
          %add3A_192 = arith.addi %add3A_144, %add3A_191 : i32
          %dma_start3A_193 = arith.constant 2 : i32
          %dma_start3A_194 = arith.constant 2 : i32
          %dma_start3A_195 = arith.constant 0 : i32
          %dma_start3A_196 = arith.constant 0 : i32
          %dma_start3A_197 = tpu.memref_slice %arg9[%dma_start3A_193, %dma_start3A_195, %dma_start3A_196] : memref<4x128x32xbf16, #tpu.memory_space<vmem>> -> memref<1x128x32xbf16, #tpu.memory_space<vmem>>
          %dma_start3A_198 = tpu.memref_squeeze %dma_start3A_197 : memref<1x128x32xbf16, #tpu.memory_space<vmem>> -> memref<128x32xbf16, #tpu.memory_space<vmem>>
          %dma_start3A_199 = arith.constant 0 : i32
          %dma_start3A_200 = tpu.memref_slice %arg7[%add3A_192, %dma_start3A_199] : memref<84x128xi32, #tpu.memory_space<vmem>> -> memref<1x128xi32, #tpu.memory_space<vmem>>
          %dma_start3A_201 = tpu.memref_squeeze %dma_start3A_200 : memref<1x128xi32, #tpu.memory_space<vmem>> -> memref<128xi32, #tpu.memory_space<vmem>>
          %dma_start3A_202 = arith.constant 0 : i32
          %dma_start3A_203 = arith.constant 0 : i32
          %dma_start3A_204 = tpu.memref_slice %arg11[%dma_start3A_202, %dma_start3A_203] : memref<10112x32xbf16, #tpu.memory_space<vmem_shared>> -> memref<10112x32xbf16, #tpu.memory_space<vmem_shared>>
          %dma_start3A_205 = tpu.memref_slice %arg12[%dma_start3A_194] : memref<4x!tpu.dma_semaphore, #tpu.memory_space<semaphore_mem>> -> memref<1x!tpu.dma_semaphore, #tpu.memory_space<semaphore_mem>>
          %dma_start3A_206 = tpu.memref_squeeze %dma_start3A_205 : memref<1x!tpu.dma_semaphore, #tpu.memory_space<semaphore_mem>> -> memref<!tpu.dma_semaphore, #tpu.memory_space<semaphore_mem>>
          tpu.enqueue_indirect_dma source(%dma_start3A_204 : memref<10112x32xbf16, #tpu.memory_space<vmem_shared>>) target(%dma_start3A_198 : memref<128x32xbf16, #tpu.memory_space<vmem>>) offsets(%dma_start3A_201 : memref<128xi32, #tpu.memory_space<vmem>>) semaphore(%dma_start3A_206 : memref<!tpu.dma_semaphore, #tpu.memory_space<semaphore_mem>>)
        } else {
        }
        %add3A_167 = arith.constant 3 : i32
        %add3A_168 = arith.addi %mul3A_97, %add3A_167 : i32
        %dma_wait3A_169 = arith.constant 3 : i32
        %dma_wait3A_170 = arith.constant 3 : i32
        %dma_wait3A_171 = arith.constant 0 : i32
        %dma_wait3A_172 = arith.constant 0 : i32
        %dma_wait3A_173 = tpu.memref_slice %arg9[%dma_wait3A_169, %dma_wait3A_171, %dma_wait3A_172] : memref<4x128x32xbf16, #tpu.memory_space<vmem>> -> memref<1x128x32xbf16, #tpu.memory_space<vmem>>
        %dma_wait3A_174 = tpu.memref_squeeze %dma_wait3A_173 : memref<1x128x32xbf16, #tpu.memory_space<vmem>> -> memref<128x32xbf16, #tpu.memory_space<vmem>>
        %dma_wait3A_175 = arith.constant 0 : i32
        %dma_wait3A_176 = tpu.memref_slice %arg7[%add3A_168, %dma_wait3A_175] : memref<84x128xi32, #tpu.memory_space<vmem>> -> memref<1x128xi32, #tpu.memory_space<vmem>>
        %dma_wait3A_177 = tpu.memref_squeeze %dma_wait3A_176 : memref<1x128xi32, #tpu.memory_space<vmem>> -> memref<128xi32, #tpu.memory_space<vmem>>
        %dma_wait3A_178 = arith.constant 0 : i32
        %dma_wait3A_179 = arith.constant 0 : i32
        %dma_wait3A_180 = tpu.memref_slice %arg11[%dma_wait3A_178, %dma_wait3A_179] : memref<10112x32xbf16, #tpu.memory_space<vmem_shared>> -> memref<10112x32xbf16, #tpu.memory_space<vmem_shared>>
        %dma_wait3A_181 = tpu.memref_slice %arg12[%dma_wait3A_170] : memref<4x!tpu.dma_semaphore, #tpu.memory_space<semaphore_mem>> -> memref<1x!tpu.dma_semaphore, #tpu.memory_space<semaphore_mem>>
        %dma_wait3A_182 = tpu.memref_squeeze %dma_wait3A_181 : memref<1x!tpu.dma_semaphore, #tpu.memory_space<semaphore_mem>> -> memref<!tpu.dma_semaphore, #tpu.memory_space<semaphore_mem>>
        tpu.wait_indirect_dma semaphore(%dma_wait3A_182 : memref<!tpu.dma_semaphore, #tpu.memory_space<semaphore_mem>>) src(%dma_wait3A_180 : memref<10112x32xbf16, #tpu.memory_space<vmem_shared>>) dst(%dma_wait3A_174 : memref<128x32xbf16, #tpu.memory_space<vmem>>)
        %run_scoped3A_183 = arith.constant 3 : i32
        "tpu.region"() ({
          %run_scoped3A_191 = tpu.sem_alloc : memref<!tpu.dma_semaphore, #tpu.memory_space<semaphore_mem>>
          %dma_start3A_192 = arith.constant 0 : i32
          %dma_start3A_193 = arith.constant 0 : i32
          %dma_start3A_194 = tpu.memref_slice %arg9[%run_scoped3A_183, %dma_start3A_192, %dma_start3A_193] : memref<4x128x32xbf16, #tpu.memory_space<vmem>> -> memref<1x128x32xbf16, #tpu.memory_space<vmem>>
          %dma_start3A_195 = tpu.memref_squeeze %dma_start3A_194 : memref<1x128x32xbf16, #tpu.memory_space<vmem>> -> memref<128x32xbf16, #tpu.memory_space<vmem>>
          %dma_start3A_196 = arith.constant 0 : i32
          %dma_start3A_197 = tpu.memref_slice %arg8[%add3A_168, %dma_start3A_196] : memref<84x128xi32, #tpu.memory_space<vmem>> -> memref<1x128xi32, #tpu.memory_space<vmem>>
          %dma_start3A_198 = tpu.memref_squeeze %dma_start3A_197 : memref<1x128xi32, #tpu.memory_space<vmem>> -> memref<128xi32, #tpu.memory_space<vmem>>
          %dma_start3A_199 = arith.constant 0 : i32
          %dma_start3A_200 = arith.constant 0 : i32
          %dma_start3A_201 = tpu.memref_slice %arg10[%dma_start3A_199, %dma_start3A_200] : memref<10112x32xbf16, #tpu.memory_space<vmem_shared>> -> memref<10112x32xbf16, #tpu.memory_space<vmem_shared>>
          tpu.enqueue_indirect_dma source(%dma_start3A_195 : memref<128x32xbf16, #tpu.memory_space<vmem>>) target(%dma_start3A_201 : memref<10112x32xbf16, #tpu.memory_space<vmem_shared>>) offsets(%dma_start3A_198 : memref<128xi32, #tpu.memory_space<vmem>>) semaphore(%run_scoped3A_191 : memref<!tpu.dma_semaphore, #tpu.memory_space<semaphore_mem>>) {add = true}
          %dma_wait3A_202 = arith.constant 0 : i32
          %dma_wait3A_203 = arith.constant 0 : i32
          %dma_wait3A_204 = tpu.memref_slice %arg9[%run_scoped3A_183, %dma_wait3A_202, %dma_wait3A_203] : memref<4x128x32xbf16, #tpu.memory_space<vmem>> -> memref<1x128x32xbf16, #tpu.memory_space<vmem>>
          %dma_wait3A_205 = tpu.memref_squeeze %dma_wait3A_204 : memref<1x128x32xbf16, #tpu.memory_space<vmem>> -> memref<128x32xbf16, #tpu.memory_space<vmem>>
          %dma_wait3A_206 = arith.constant 0 : i32
          %dma_wait3A_207 = tpu.memref_slice %arg8[%add3A_168, %dma_wait3A_206] : memref<84x128xi32, #tpu.memory_space<vmem>> -> memref<1x128xi32, #tpu.memory_space<vmem>>
          %dma_wait3A_208 = tpu.memref_squeeze %dma_wait3A_207 : memref<1x128xi32, #tpu.memory_space<vmem>> -> memref<128xi32, #tpu.memory_space<vmem>>
          %dma_wait3A_209 = arith.constant 0 : i32
          %dma_wait3A_210 = arith.constant 0 : i32
          %dma_wait3A_211 = tpu.memref_slice %arg10[%dma_wait3A_209, %dma_wait3A_210] : memref<10112x32xbf16, #tpu.memory_space<vmem_shared>> -> memref<10112x32xbf16, #tpu.memory_space<vmem_shared>>
          tpu.wait_indirect_dma semaphore(%run_scoped3A_191 : memref<!tpu.dma_semaphore, #tpu.memory_space<semaphore_mem>>) src(%dma_wait3A_205 : memref<128x32xbf16, #tpu.memory_space<vmem>>) dst(%dma_wait3A_211 : memref<10112x32xbf16, #tpu.memory_space<vmem_shared>>)
          tpu.yield
        }) : () -> ()
        %add3A_184 = arith.constant 4 : i32
        %add3A_185 = arith.addi %add3A_168, %add3A_184 : i32
        %lt3A_186 = arith.constant 76 : i32
        %lt3A_187 = arith.cmpi slt, %add3A_185, %lt3A_186 : i32
        %convert_element_type3A_188 = arith.extui %lt3A_187 : i1 to i32
        %cond3A_189 = arith.constant 0 : i32
        %cond3A_190 = arith.cmpi ne, %convert_element_type3A_188, %cond3A_189 : i32
        scf.if %cond3A_190 {
          %add3A_191 = arith.constant 4 : i32
          %add3A_192 = arith.addi %add3A_168, %add3A_191 : i32
          %dma_start3A_193 = arith.constant 3 : i32
          %dma_start3A_194 = arith.constant 3 : i32
          %dma_start3A_195 = arith.constant 0 : i32
          %dma_start3A_196 = arith.constant 0 : i32
          %dma_start3A_197 = tpu.memref_slice %arg9[%dma_start3A_193, %dma_start3A_195, %dma_start3A_196] : memref<4x128x32xbf16, #tpu.memory_space<vmem>> -> memref<1x128x32xbf16, #tpu.memory_space<vmem>>
          %dma_start3A_198 = tpu.memref_squeeze %dma_start3A_197 : memref<1x128x32xbf16, #tpu.memory_space<vmem>> -> memref<128x32xbf16, #tpu.memory_space<vmem>>
          %dma_start3A_199 = arith.constant 0 : i32
          %dma_start3A_200 = tpu.memref_slice %arg7[%add3A_192, %dma_start3A_199] : memref<84x128xi32, #tpu.memory_space<vmem>> -> memref<1x128xi32, #tpu.memory_space<vmem>>
          %dma_start3A_201 = tpu.memref_squeeze %dma_start3A_200 : memref<1x128xi32, #tpu.memory_space<vmem>> -> memref<128xi32, #tpu.memory_space<vmem>>
          %dma_start3A_202 = arith.constant 0 : i32
          %dma_start3A_203 = arith.constant 0 : i32
          %dma_start3A_204 = tpu.memref_slice %arg11[%dma_start3A_202, %dma_start3A_203] : memref<10112x32xbf16, #tpu.memory_space<vmem_shared>> -> memref<10112x32xbf16, #tpu.memory_space<vmem_shared>>
          %dma_start3A_205 = tpu.memref_slice %arg12[%dma_start3A_194] : memref<4x!tpu.dma_semaphore, #tpu.memory_space<semaphore_mem>> -> memref<1x!tpu.dma_semaphore, #tpu.memory_space<semaphore_mem>>
          %dma_start3A_206 = tpu.memref_squeeze %dma_start3A_205 : memref<1x!tpu.dma_semaphore, #tpu.memory_space<semaphore_mem>> -> memref<!tpu.dma_semaphore, #tpu.memory_space<semaphore_mem>>
          tpu.enqueue_indirect_dma source(%dma_start3A_204 : memref<10112x32xbf16, #tpu.memory_space<vmem_shared>>) target(%dma_start3A_198 : memref<128x32xbf16, #tpu.memory_space<vmem>>) offsets(%dma_start3A_201 : memref<128xi32, #tpu.memory_space<vmem>>) semaphore(%dma_start3A_206 : memref<!tpu.dma_semaphore, #tpu.memory_space<semaphore_mem>>)
        } else {
        }
      }
      %scan3A_94 = arith.constant 19 : i32
    } else {
    }
    %barrier3A_24 = arith.constant 0 : index
    tpu.barrier barrier_id(%barrier3A_24)
    %mul3A_25 = arith.constant 632 : i32
    %mul3A_26 = arith.muli %arg1, %mul3A_25 : i32
    %mul3A_27 = arith.constant 10112 : i32
    %mul3A_28 = arith.muli %arg0, %mul3A_27 : i32
    %mul3A_29 = arith.constant 632 : i32
    %mul3A_30 = arith.muli %arg1, %mul3A_29 : i32
    %add3A = arith.addi %mul3A_28, %mul3A_30 : i32
    "tpu.region"() ({
      %run_scoped3A = tpu.sem_alloc : memref<!tpu.dma_semaphore, #tpu.memory_space<semaphore_mem>>
      %dma_start3A = arith.constant 0 : i32
      %dma_start3A_31 = tpu.memref_slice %arg6[%add3A, %dma_start3A] : memref<20224x32xbf16, #tpu.memory_space<hbm>> -> memref<632x32xbf16, #tpu.memory_space<hbm>>
      %dma_start3A_32 = arith.constant 0 : i32
      %dma_start3A_33 = tpu.memref_slice %arg10[%mul3A_26, %dma_start3A_32] : memref<10112x32xbf16, #tpu.memory_space<vmem_shared>> -> memref<632x32xbf16, #tpu.memory_space<vmem_shared>>
      tpu.enqueue_dma source(%dma_start3A_33 : memref<632x32xbf16, #tpu.memory_space<vmem_shared>>) target(%dma_start3A_31 : memref<632x32xbf16, #tpu.memory_space<hbm>>) target_semaphore(%run_scoped3A : memref<!tpu.dma_semaphore, #tpu.memory_space<semaphore_mem>>)
      %dma_wait3A = arith.constant 0 : i32
      %dma_wait3A_34 = tpu.memref_slice %arg6[%add3A, %dma_wait3A] : memref<20224x32xbf16, #tpu.memory_space<hbm>> -> memref<632x32xbf16, #tpu.memory_space<hbm>>
      %dma_wait3A_35 = arith.constant 0 : i32
      %dma_wait3A_36 = tpu.memref_slice %arg10[%mul3A_26, %dma_wait3A_35] : memref<10112x32xbf16, #tpu.memory_space<vmem_shared>> -> memref<632x32xbf16, #tpu.memory_space<vmem_shared>>
      tpu.wait_dma2 semaphore(%run_scoped3A : memref<!tpu.dma_semaphore, #tpu.memory_space<semaphore_mem>>) src(%dma_wait3A_36 : memref<632x32xbf16, #tpu.memory_space<vmem_shared>>) dst(%dma_wait3A_34 : memref<632x32xbf16, #tpu.memory_space<hbm>>)
      tpu.yield
    }) : () -> ()
    return
  }
}

module attributes {stable_mosaic.version = 14 : i64} {
  func.func @_mmscale_body(%arg0: memref<10000x128xf32, #tpu.memory_space<vmem>>, %arg1: memref<128x32xf32, #tpu.memory_space<vmem>>, %arg2: memref<10112x1xf32, #tpu.memory_space<vmem>>, %arg3: memref<10112x1xf32, #tpu.memory_space<vmem>>, %arg4: memref<10112x32xbf16, #tpu.memory_space<vmem>>) attributes {dimension_semantics = [], scalar_prefetch = 0 : i64, scratch_operands = 0 : i64, tpu.core_type = #tpu.core_type<tc>} {
    %get3A = arith.constant 0 : index
    %get3A_0 = arith.constant 0 : index
    %get3A_1 = vector.load %arg0[%get3A, %get3A_0] : memref<10000x128xf32, #tpu.memory_space<vmem>>, vector<10000x128xf32>
    %get3A_2 = arith.constant 0 : index
    %get3A_3 = arith.constant 0 : index
    %get3A_4 = vector.load %arg1[%get3A_2, %get3A_3] : memref<128x32xf32, #tpu.memory_space<vmem>>, vector<128x32xf32>
    %dot_general3A = arith.constant dense<0.000000e+00> : vector<10000x32xf32>
    %dot_general3A_5 = tpu.matmul %get3A_1, %get3A_4, %dot_general3A {dimension_numbers = #tpu.dot_dimension_numbers<[1], [0], [0], [1], [0, 0, 1, 1], [], []>, transpose_lhs_hint = false} : vector<10000x128xf32>, vector<128x32xf32>, vector<10000x32xf32> -> vector<10000x32xf32>
    %get3A_6 = arith.constant 0 : index
    %get3A_7 = arith.constant 0 : index
    %get3A_8 = vector.load %arg2[%get3A_6, %get3A_7] : memref<10112x1xf32, #tpu.memory_space<vmem>>, vector<10000x1xf32>
    %get3A_9 = arith.constant 0 : index
    %get3A_10 = arith.constant 0 : index
    %get3A_11 = vector.load %arg3[%get3A_9, %get3A_10] : memref<10112x1xf32, #tpu.memory_space<vmem>>, vector<10000x1xf32>
    %add3A = arith.addf %get3A_8, %get3A_11 : vector<10000x1xf32>
    %add3A_12 = arith.constant 1.000000e+00 : f32
    %add3A_13 = vector.broadcast %add3A_12 : f32 to vector<10000x1xf32>
    %add3A_14 = arith.addf %add3A, %add3A_13 : vector<10000x1xf32>
    %rsqrt3A = math.rsqrt %add3A_14 : vector<10000x1xf32>
    %mul3A = vector.broadcast %rsqrt3A : vector<10000x1xf32> to vector<10000x32xf32>
    %mul3A_15 = arith.mulf %dot_general3A_5, %mul3A : vector<10000x32xf32>
    %convert_element_type3A = arith.truncf %mul3A_15 : vector<10000x32xf32> to vector<10000x32xbf16>
    %swap3A = arith.constant 0 : index
    %swap3A_16 = arith.constant 0 : index
    %swap3A_17 = vector.load %arg4[%swap3A, %swap3A_16] : memref<10112x32xbf16, #tpu.memory_space<vmem>>, vector<10000x32xbf16>
    tpu.vector_store %arg4[%swap3A, %swap3A_16], %convert_element_type3A {strides = array<i32>} : memref<10112x32xbf16, #tpu.memory_space<vmem>>, vector<10000x32xbf16>,
    %broadcast_in_dim3A = arith.constant 0.000000e+00 : bf16
    %broadcast_in_dim3A_18 = vector.broadcast %broadcast_in_dim3A : bf16 to vector<112x32xbf16>
    %swap3A_19 = arith.constant 10000 : index
    %swap3A_20 = arith.constant 0 : index
    %swap3A_21 = vector.load %arg4[%swap3A_19, %swap3A_20] : memref<10112x32xbf16, #tpu.memory_space<vmem>>, vector<112x32xbf16>
    tpu.vector_store %arg4[%swap3A_19, %swap3A_20], %broadcast_in_dim3A_18 {strides = array<i32>} : memref<10112x32xbf16, #tpu.memory_space<vmem>>, vector<112x32xbf16>,
    return
  }
}

module attributes {stable_mosaic.version = 14 : i64} {
  func.func @_finish_body(%arg0: memref<20224x32xbf16, #tpu.memory_space<vmem>>, %arg1: memref<10112x32xbf16, #tpu.memory_space<vmem>>, %arg2: memref<10112x1xf32, #tpu.memory_space<vmem>>, %arg3: memref<10112x1xf32, #tpu.memory_space<vmem>>, %arg4: memref<1x32xf32, #tpu.memory_space<vmem>>, %arg5: memref<32x32xf32, #tpu.memory_space<vmem>>, %arg6: memref<1x32xf32, #tpu.memory_space<vmem>>, %arg7: memref<32x32xf32, #tpu.memory_space<vmem>>, %arg8: memref<1x32xf32, #tpu.memory_space<vmem>>, %arg9: memref<1x32xf32, #tpu.memory_space<vmem>>, %arg10: memref<1x32xf32, #tpu.memory_space<vmem>>) attributes {dimension_semantics = [], scalar_prefetch = 0 : i64, scratch_operands = 0 : i64, tpu.core_type = #tpu.core_type<tc>} {
    %get3A = arith.constant 0 : index
    %get3A_0 = arith.constant 0 : index
    %get3A_1 = vector.load %arg0[%get3A, %get3A_0] : memref<20224x32xbf16, #tpu.memory_space<vmem>>, vector<10112x32xbf16>
    %convert_element_type3A = arith.extf %get3A_1 : vector<10112x32xbf16> to vector<10112x32xf32>
    %get3A_2 = arith.constant 10112 : index
    %get3A_3 = arith.constant 0 : index
    %get3A_4 = vector.load %arg0[%get3A_2, %get3A_3] : memref<20224x32xbf16, #tpu.memory_space<vmem>>, vector<10112x32xbf16>
    %convert_element_type3A_5 = arith.extf %get3A_4 : vector<10112x32xbf16> to vector<10112x32xf32>
    %add3A = arith.addf %convert_element_type3A, %convert_element_type3A_5 : vector<10112x32xf32>
    %get3A_6 = arith.constant 0 : index
    %get3A_7 = arith.constant 0 : index
    %get3A_8 = vector.load %arg1[%get3A_6, %get3A_7] : memref<10112x32xbf16, #tpu.memory_space<vmem>>, vector<10112x32xbf16>
    %convert_element_type3A_9 = arith.extf %get3A_8 : vector<10112x32xbf16> to vector<10112x32xf32>
    %add3A_10 = arith.addf %add3A, %convert_element_type3A_9 : vector<10112x32xf32>
    %get3A_11 = arith.constant 0 : index
    %get3A_12 = arith.constant 0 : index
    %get3A_13 = vector.load %arg2[%get3A_11, %get3A_12] : memref<10112x1xf32, #tpu.memory_space<vmem>>, vector<10112x1xf32>
    %get3A_14 = arith.constant 0 : index
    %get3A_15 = arith.constant 0 : index
    %get3A_16 = vector.load %arg3[%get3A_14, %get3A_15] : memref<10112x1xf32, #tpu.memory_space<vmem>>, vector<10112x1xf32>
    %add3A_17 = arith.addf %get3A_13, %get3A_16 : vector<10112x1xf32>
    %add3A_18 = arith.constant 1.000000e+00 : f32
    %add3A_19 = vector.broadcast %add3A_18 : f32 to vector<10112x1xf32>
    %add3A_20 = arith.addf %add3A_17, %add3A_19 : vector<10112x1xf32>
    %rsqrt3A = math.rsqrt %add3A_20 : vector<10112x1xf32>
    %mul3A = vector.broadcast %rsqrt3A : vector<10112x1xf32> to vector<10112x32xf32>
    %mul3A_21 = arith.mulf %add3A_10, %mul3A : vector<10112x32xf32>
    %get3A_22 = arith.constant 0 : index
    %get3A_23 = arith.constant 0 : index
    %get3A_24 = vector.load %arg4[%get3A_22, %get3A_23] : memref<1x32xf32, #tpu.memory_space<vmem>>, vector<1x32xf32>
    %add3A_25 = vector.broadcast %get3A_24 : vector<1x32xf32> to vector<10112x32xf32>
    %add3A_26 = arith.addf %mul3A_21, %add3A_25 : vector<10112x32xf32>
    %max3A = arith.constant 0.000000e+00 : f32
    %max3A_27 = vector.broadcast %max3A : f32 to vector<10112x32xf32>
    %max3A_28 = arith.maximumf %add3A_26, %max3A_27 : vector<10112x32xf32>
    %iota3A = tpu.iota {dimensions = array<i32: 0>} : vector<10112x1xi32>
    %lt3A = arith.constant 10000 : i32
    %lt3A_29 = vector.broadcast %lt3A : i32 to vector<10112x1xi32>
    %lt3A_30 = arith.cmpi slt, %iota3A, %lt3A_29 : vector<10112x1xi32>
    %jit3A = arith.constant 0.000000e+00 : f32
    %broadcast_in_dim3A = vector.shape_cast %lt3A_30 : vector<10112x1xi1> to vector<10112x1xi1>
    %broadcast_in_dim3A_31 = vector.broadcast %broadcast_in_dim3A : vector<10112x1xi1> to vector<10112x32xi1>
    %broadcast_in_dim3A_32 = vector.broadcast %jit3A : f32 to vector<10112x32xf32>
    %select_n3A = arith.select %broadcast_in_dim3A_31, %max3A_28, %broadcast_in_dim3A_32 : vector<10112x32xi1>, vector<10112x32xf32>
    %reduce_sum3A = arith.constant dense<0.000000e+00> : vector<32xf32>
    %reduce_sum3A_33 = vector.multi_reduction <add>, %select_n3A, %reduce_sum3A [0] : vector<10112x32xf32> to vector<32xf32>
    %broadcast_in_dim3A_34 = vector.shape_cast %reduce_sum3A_33 : vector<32xf32> to vector<1x32xf32>
    %mul3A_35 = arith.constant 9.99999974E-5 : f32
    %mul3A_36 = vector.broadcast %mul3A_35 : f32 to vector<1x32xf32>
    %mul3A_37 = arith.mulf %broadcast_in_dim3A_34, %mul3A_36 : vector<1x32xf32>
    %get3A_38 = arith.constant 0 : index
    %get3A_39 = arith.constant 0 : index
    %get3A_40 = vector.load %arg5[%get3A_38, %get3A_39] : memref<32x32xf32, #tpu.memory_space<vmem>>, vector<32x32xf32>
    %dot_general3A = arith.constant dense<0.000000e+00> : vector<1x32xf32>
    %dot_general3A_41 = tpu.matmul %mul3A_37, %get3A_40, %dot_general3A {dimension_numbers = #tpu.dot_dimension_numbers<[1], [0], [0], [1], [0, 0, 1, 1], [], []>, transpose_lhs_hint = false} : vector<1x32xf32>, vector<32x32xf32>, vector<1x32xf32> -> vector<1x32xf32>
    %get3A_42 = arith.constant 0 : index
    %get3A_43 = arith.constant 0 : index
    %get3A_44 = vector.load %arg6[%get3A_42, %get3A_43] : memref<1x32xf32, #tpu.memory_space<vmem>>, vector<1x32xf32>
    %add3A_45 = arith.addf %dot_general3A_41, %get3A_44 : vector<1x32xf32>
    %swap3A = arith.constant 0 : index
    %swap3A_46 = arith.constant 0 : index
    %swap3A_47 = vector.load %arg9[%swap3A, %swap3A_46] : memref<1x32xf32, #tpu.memory_space<vmem>>, vector<1x32xf32>
    tpu.vector_store %arg9[%swap3A, %swap3A_46], %add3A_45 {strides = array<i32>} : memref<1x32xf32, #tpu.memory_space<vmem>>, vector<1x32xf32>,
    %get3A_48 = arith.constant 0 : index
    %get3A_49 = arith.constant 0 : index
    %get3A_50 = vector.load %arg7[%get3A_48, %get3A_49] : memref<32x32xf32, #tpu.memory_space<vmem>>, vector<32x32xf32>
    %dot_general3A_51 = arith.constant dense<0.000000e+00> : vector<1x32xf32>
    %dot_general3A_52 = tpu.matmul %mul3A_37, %get3A_50, %dot_general3A_51 {dimension_numbers = #tpu.dot_dimension_numbers<[1], [0], [0], [1], [0, 0, 1, 1], [], []>, transpose_lhs_hint = false} : vector<1x32xf32>, vector<32x32xf32>, vector<1x32xf32> -> vector<1x32xf32>
    %get3A_53 = arith.constant 0 : index
    %get3A_54 = arith.constant 0 : index
    %get3A_55 = vector.load %arg8[%get3A_53, %get3A_54] : memref<1x32xf32, #tpu.memory_space<vmem>>, vector<1x32xf32>
    %add3A_56 = arith.addf %dot_general3A_52, %get3A_55 : vector<1x32xf32>
    %swap3A_57 = arith.constant 0 : index
    %swap3A_58 = arith.constant 0 : index
    %swap3A_59 = vector.load %arg10[%swap3A_57, %swap3A_58] : memref<1x32xf32, #tpu.memory_space<vmem>>, vector<1x32xf32>
    tpu.vector_store %arg10[%swap3A_57, %swap3A_58], %add3A_56 {strides = array<i32>} : memref<1x32xf32, #tpu.memory_space<vmem>>, vector<1x32xf32>,
    return
  }
}

</mosaic_0001>

<sc_bundles>
// kernel: kernel.6.cloned.1.call-start
scs
__scs_entry_jumppad:
0x0: {  	(pc) =	sbr.rel $0x88, $3  }
0x1: {  	(tag) =	ssettag $0x0;
	lr =	simm.s32 $0x1  }
0x2: {  	[smem:$0x3F99] =	sst lr;
	_ =	strace $0xD0000000  }
0x3: {  	_ = 	snop  }
0x4: {  	_ = 	snop  }
0x5: {  	_ = 	snop  }
0x6: {  	_ = 	snop  }
0x7: {  	_ = 	snop  }
__scs_overlays_trampoline_lowered:
0x8: {  	[smem:$0x3FA8] =	sst s0  }
0x9: {  	[smem:$0x3FA9] =	sst s1  }
0xa: {  	[smem:$0x3FAA] =	sst s2  }
0xb: {  	[smem:$0x3FAB] =	sst s3  }
0xc: {  	[smem:$0x3FAC] =	sst s4  }
0xd: {  	[smem:$0x3FAD] =	sst s5  }
0xe: {  	[smem:$0x3FAE] =	sst s6  }
0xf: {  	[smem:$0x3FAF] =	sst s7  }
0x10: {  	[smem:$0x3FB0] =	sst s8  }
0x11: {  	[smem:$0x3FB1] =	sst s9;
	s0 =	simm.s32 @!p0 $0x0  }
0x12: {  	s1 =	sld [smem:$0x3F97];
	s0 =	simm.s32 @p0 $0x1  }
0x13: {  	[smem:$0x3FB2] =	sst s0;
	s0 =	simm.s32 @!p1 $0x0  }
0x14: {  	s2 =	sld [smem:$0x3F96];
	s0 =	simm.s32 @p1 $0x1  }
0x15: {  	[smem:$0x3FB3] =	sst s0;
	s0 =	simm.s32 @!p2 $0x0  }
0x16: {  	s3 =	sld [smem:$0x3FDB];
	s0 =	simm.s32 @p2 $0x1  }
0x17: {  	s4 =	simm.s32 $0x1BF5;
	[smem:$0x3FB5] =	sst s0  }
0x18: {  	s0 =	sld [smem:$0x3F98];
	_ =	swait.ge [sflag:s4], $0x0  }
0x19: {  	s7 =	sld [smem:$0x3F99]  }
0x1a: {  	s8 =	sadd.s32 $0xFFFFE003, lr  }
0x1b: {  	s9 =	sadd.s32 $0xFFFFFEF7, lr;
	s5 =	simm.s32 $0xFFFFFFFF;
	p2 =	slt.u32 s8, $0xFFFFF086  }
0x1c: {  	p1 =	slt.u32 s9, $0xF7A;
	s5 =	simm.s32 @!p2 $0x0  }
0x1d: {  	s5 =	simm.s32 @p1 $0x1;
	p0 =	seq.s32 s7, s2  }
0x1e: {  	s7 =	smul.u32 @!p0 $0xF7A, s2;
	p2 =	seq.s32 @!p0 s5, $0x0  }
0x1f: {  	s9 =	smul.u32 $0xF7A, s1;
	s8 =	simm.s32 @!p0 $0x1BF5;
	p2 =	por !p2, p0  }
0x20: {  	[sflag:s8] =	ssyncset.s32 @!p0 $0xFFFFF086;
	s6 =	sadd.s32 @!p0 s3, s7;
	s7 =	simm.s32 @!p0 $0x108  }
0x21: {  	s3 =	sadd.s32 s3, s9;
	s6 =	sadd.s32 @!p0 $0x88, s6;
	s7 =	simm.s32 @p2 $0x1082  }
0x22: {  	[simem:s7], [sflag:s8] =	dma.local @!p0 [hbm:s6], $0xF7A  }
0x23: {  	s9 =	sor.u32 $0xD0000000, s2;
	s6 =	simm.s32 $0x108;
	_ =	swait.ge @!p0 [sflag:s8], $0x0  }
0x24: {  	s3 =	sadd.s32 $0x88, s3;
	s6 =	simm.s32 @!p1 $0x1082;
	[sflag:s4] =	ssyncset.s32 $0xFFFFF086  }
0x25: {  	[simem:s6], [sflag:s4] =	dma.local [hbm:s3], $0xF7A  }
0x26: {  	[smem:$0x3F99] =	sst s1;
	(tag) =	ssettag s2;
	_ =	strace s9  }
0x27: {  	s1 =	sld [smem:$0x3FA9]  }
0x28: {  	s2 =	sld [smem:$0x3FAA]  }
0x29: {  	s4 =	sld [smem:$0x3FAC]  }
0x2a: {  	p0 =	seq.s32 s5, $0x0;
	s5 =	sld [smem:$0x3FAD]  }
0x2b: {  	s6 =	sld [smem:$0x3FAE]  }
0x2c: {  	s7 =	sld [smem:$0x3FAF]  }
0x2d: {  	s3 =	simm.s32 $0x108;
	s8 =	sld [smem:$0x3FB0]  }
0x2e: {  	s3 =	simm.s32 @!p0 $0x1082;
	s9 =	sld [smem:$0x3FB1]  }
0x2f: {  	lr =	sadd.s32 s0, s3;
	s0 =	sld [smem:$0x3FA8]  }
0x30: {  	s3 =	sld [smem:$0x3FAB]  }
0x31: {  	[smem:$0x3FB4] =	sst s10  }
0x32: {  	s10 =	sld [smem:$0x3FB2];
	_ =	sdelay $0x3  }
0x33: {  	p0 =	seq.s32 s10, $0x1;
	s10 =	sld [smem:$0x3FB4];
	_ =	sdelay $0x3  }
0x34: {  	[smem:$0x3FB4] =	sst s10  }
0x35: {  	s10 =	sld [smem:$0x3FB3];
	_ =	sdelay $0x3  }
0x36: {  	p1 =	seq.s32 s10, $0x1;
	s10 =	sld [smem:$0x3FB4];
	_ =	sdelay $0x3  }
0x37: {  	[smem:$0x3FB4] =	sst s10  }
0x38: {  	s10 =	sld [smem:$0x3FB5]  }
0x39: {  	_ = 	snop;
	(pc) =	sbr.ind lr, $3  }
0x3a: {  	_ = 	snop  }
0x3b: {  	_ = 	snop  }
0x3c: {  	p2 =	seq.s32 s10, $0x1;
	s10 =	sld [smem:$0x3FB4]  }
0x3d: {  	_ =	shalt  }
0x3e: {  	_ =	shalt  }
0x3f: {  	_ =	shalt  }
0x40: {  	_ =	shalt  }
0x41: {  	_ =	shalt  }
0x42: {  	_ =	shalt  }
0x43: {  	_ =	shalt  }
0x44: {  	_ =	shalt  }
0x45: {  	_ =	shalt  }
0x46: {  	_ =	shalt  }
0x47: {  	_ =	shalt  }
0x48: {  	_ =	shalt  }
0x49: {  	_ =	shalt  }
0x4a: {  	_ =	shalt  }
0x4b: {  	_ =	shalt  }
0x4c: {  	_ =	shalt  }
0x4d: {  	_ =	shalt  }
0x4e: {  	_ =	shalt  }
0x4f: {  	_ =	shalt  }
0x50: {  	_ =	shalt  }
0x51: {  	_ =	shalt  }
0x52: {  	_ =	shalt  }
0x53: {  	_ =	shalt  }
0x54: {  	_ =	shalt  }
0x55: {  	_ =	shalt  }
0x56: {  	_ =	shalt  }
0x57: {  	_ =	shalt  }
0x58: {  	_ =	shalt  }
0x59: {  	_ =	shalt  }
0x5a: {  	_ =	shalt  }
0x5b: {  	_ =	shalt  }
0x5c: {  	_ =	shalt  }
0x5d: {  	_ =	shalt  }
0x5e: {  	_ =	shalt  }
0x5f: {  	_ =	shalt  }
0x60: {  	_ =	shalt  }
0x61: {  	_ =	shalt  }
0x62: {  	_ =	shalt  }
0x63: {  	_ =	shalt  }
0x64: {  	_ =	shalt  }
0x65: {  	_ =	shalt  }
0x66: {  	_ =	shalt  }
0x67: {  	_ =	shalt  }
0x68: {  	_ =	shalt  }
0x69: {  	_ =	shalt  }
0x6a: {  	_ =	shalt  }
0x6b: {  	_ =	shalt  }
0x6c: {  	_ =	shalt  }
0x6d: {  	_ =	shalt  }
0x6e: {  	_ =	shalt  }
0x6f: {  	_ =	shalt  }
0x70: {  	_ =	shalt  }
0x71: {  	_ =	shalt  }
0x72: {  	_ =	shalt  }
0x73: {  	_ =	shalt  }
0x74: {  	_ =	shalt  }
0x75: {  	_ =	shalt  }
0x76: {  	_ =	shalt  }
0x77: {  	_ =	shalt  }
0x78: {  	_ =	shalt  }
0x79: {  	_ =	shalt  }
0x7a: {  	_ =	shalt  }
0x7b: {  	_ =	shalt  }
0x7c: {  	_ =	shalt  }
0x7d: {  	_ =	shalt  }
0x7e: {  	_ =	shalt  }
0x7f: {  	_ =	shalt  }
0x80: {  	_ =	shalt  }
0x81: {  	_ =	shalt  }
0x82: {  	_ =	shalt  }
0x83: {  	_ =	shalt  }
0x84: {  	_ =	shalt  }
0x85: {  	_ =	shalt  }
0x86: {  	_ =	shalt  }
0x87: {  	_ =	shalt  }
.Lfunc_end0:
.L_simem_size_0:
called_computation_lowered:
.L_overlay_start_0:
0x88: {  	s2 =	sld [smem:$0x3FD9]  }
0x89: {  	s3 =	sld [smem:$0x3FFE];
	_ =	sdelay $0x1  }
0x8a: {  	s1 =	srdreg.scid  }
0x8b: {  	s0 =	sand.u32 $0x1, s1  }
0x8c: {  	s16 =	sshll.u32 s0, $0xA;
	s2 =	sadd.s32 s3, s2  }
0x8d: {  	s2 =	sadd.s32 s2, s16  }
0x8e: {  	[smem:$0x3FC0] =	sst s2  }
0x8f: {  	_ = 	snop  }
0x90: {  	(tm) =	ssettm $0x1  }
0x91: {  	s17 =	sld [smem:$0x3FFB];
	_ =	sdelay $0x3  }
0x92: {  	_ =	strace s17  }
0x93: {  	s2 =	sld [smem:$0x3FFC];
	_ =	sdelay $0x3  }
0x94: {  	_ =	strace s2  }
0x95: {  	s2 =	sld [smem:$0x3FFD];
	_ =	sdelay $0x3  }
0x96: {  	_ =	strace s2  }
0x97: {  	_ =	strace $0x8FFFFFFF  }
0x98: {  	s18 =	sld [smem:$0x3FDB];
	_ =	sdelay $0x1  }
0x99: {  	s19 =	simm.s32 $_scs_section_size  }
0x9a: {  	s4 =	simm.s32 $_size__tile_overlayer_lowered;
	s5 =	simm.s32 $_tile_overlayer_lowered  }
0x9b: {  	s22 =	simm.s32 $0x1BFF;
	s21 =	sshll.u32 s5, $0x1;
	s2 =	sadd.s32 s19, s18  }
0x9c: {  	s6 =	simm.s32 $0x0;
	s20 =	sshll.u32 s4, $0x1;
	s4 =	sadd.s32 s21, s2  }
0x9d: {  	[timem:s6], [sflag:s22] =	dma.local [hbm:s4], s20  }
0x9e: {  	_ =	swait.ge [sflag:s22], s20  }
0x9f: {  	s3 =	ssub.s32 $0x0, s20;
	[sflag:s22] =	ssyncset.done $0x0  }
0xa0: {  	[sflag:s22] =	ssyncadd.s32 s3;
	_ =	sdelay $0x1  }
0xa1: {  	s23 =	simm.s32 $0x1B8B  }
0xa2: {  	_ =	swait.ge [sflag:s23], $0x1  }
0xa3: {  	[sflag:s23] =	ssyncset.done $0x0  }
0xa4: {  	s25 =	simm.s32 $0x1B8E;
	s24 =	sld [smem:$0x3FFE];
	[sflag:s23] =	ssyncadd.s32 $0xFFFFFFFF  }
0xa5: {  	s26 =	simm.s32 $execute0_lowered;
	[smem:$0x3FD2] =	sst s25  }
0xa6: {  	s4 =	sshll.u32 s26, $0x1;
	_ =	strace $0x80000046;
	[dreg:$0x1] =	wrdreg $0xFFFFFFFF  }
0xa7: {  	s28 =	simm.s32 $_size_execute0_lowered;
	s2 =	sadd.s32 s2, s4;
	[dreg:$0x0] =	wrdreg $0x0  }
0xa8: {  	s4 =	sshll.u32 s28, $0x1;
	[dreg:$0x2] =	wrdreg s2  }
0xa9: {  	[dreg:$0x3] =	wrdreg s4  }
0xaa: {  	[dreg:$0x4] =	wrdreg $0xC0  }
0xab: {  	_ =	task [dreg:s6], $0x5FFFF  }
0xac: {  	[dreg:$0x1] =	wrdreg $0xFFFFFFFF  }
0xad: {  	[dreg:$0x0] =	wrdreg $0x60  }
0xae: {  	[dreg:$0x2] =	wrdreg s24  }
0xaf: {  	[dreg:$0x3] =	wrdreg $0x2D080  }
0xb0: {  	[dreg:$0x4] =	wrdreg $0x9  }
0xb1: {  	_ =	task.clear_ibuf [dreg:s6], $0x5FFFF;
	_ =	strace $0x90000046  }
0xb2: {  	s29 =	simm.s32 $0x9;
	_ =	strace $0x80000048  }
0xb3: {  	_ =	swait.ge [sflag:s29], $0x1  }
0xb4: {  	[sflag:s29] =	ssyncadd.s32 $0xFFFFFFFF  }
0xb5: {  	_ =	strace $0x90000048  }
0xb6: {  	_ =	sfence  }
0xb7: {  	s30 =	sld [smem:$0x0];
	_ =	sdelay $0x2  }
0xb8: {  	s31 =	sshll.u32 s1, $0xD;
	s1 =	sshrl.u32 s1, $0x2  }
0xb9: {  	s3 =	sand.u32 $0x4000, s31;
	s1 =	sadd.s32 s1, s30  }
0xba: {  	s0 =	sor.u32 s3, s0;
	s1 =	sshll.u32 s1, $0x11  }
0xbb: {  	s0 =	sor.u32 s1, s0  }
0xbc: {  	s0 =	sadd.s32 $0x8F2B, s0  }
0xbd: {  	[sflag:s0] =	ssyncadd.remote.s32 $0x1  }
0xbe: {  	_ =	sfence.sel $0xFFFF  }
0xbf: {  	[dreg:$0x0] =	wrdreg $0xFFFFFFFF;
	(pc) =	sbr.abs _section_cstart, $3  }
0xc0: {  	[dreg:$0x1] =	wrdreg $0xFFFFFFFF  }
0xc1: {  	_ =	task.clear_ibuf [dreg:s6], $0x2FFFF;
	_ =	strace $0x9FFFFFFF  }
0xc2: {  	(tm) =	ssettm $0x7FFFFFFF  }
0xc3: {  	_ =	shalt  }
tec
execute0_lowered:
.L_overlay_start_1:
0x0: {  	(tag) =	ssettag $0x1  }
0x1: {  	s4 =	rddreg [dreg:$0x0]  }
0x2: {  	s1 =	srdreg.scid;
	s0 =	stileid.u32  }
0x3: {  	s2 =	rddreg [dreg:$0x1];
	s5 =	smul.u32 $0x278, s0  }
0x4: {  	s3 =	simm.s32 $0x0;
	s14 =	simm.s32 $0x0;
	s7 =	smul.u32 $0x2600, s0  }
0x5: {  	s9 =	sand.u32 $0x1, s1;
	s1 =	rddreg [dreg:$0x2];
	s12 =	smul.u32 $0x540, s0  }
0x6: {  	[smem:$0x7FF] =	sst s3;
	s8 =	sadd.s32 $0x1800, s4;
	s6 =	smul.u32 $0x2780, s9  }
0x7: {  	_ =	strace $0x80000047;
	s10 =	ssub.s32 $0x2, s9;
	p0 =	sne.s32 s9, $0x0  }
0x8: {  	s9 =	simm.s32 $0x2A80;
	s11 =	sshrl.u32 s10, $0x1;
	s7 =	sshrl.u32 s7, $0x3  }
.Ltmp0:
0x9: {  	s6 =	sadd.s32 s5, s6;
	s10 =	ssub.s32 s10, s11;
	(pc) =	sbr.rel .LBB2_1-.Ltmp0, $4  }
0xa: {  	s31 =	sadd.s32 s8, s7;
	s11 =	simm.s32 $0x80;
	s6 =	sshrl.u32 s6, $0x3  }
0xb: {  	s13 =	sadd.s32 s6, s4;
	s4 =	sadd.s32 s5, s2;
	s5 =	sadd.s32 $0x5400, s31  }
0xc: {  	s6 =	sadd.s32 s8, s12;
	s8 =	smax.u32 s10, $0x1;
	s10 =	simm.s32 $0x2  }
0xd: {  	v0 =	vimm.f32 $1.000000000e+00;
	v1 =	vimm.f32 $0.0e+00;
	s12 =	simm.s32 $0x2A00;
	s7 =	sadd.s32 $0xB800, s13;
	s13 =	simm.s32 $0x1  }
.LBB2_11:
0xe: {  	[sflag:s13] =	ssyncadd.s32 $0xFFFFFF80  }
.LBB2_12:
0xf: {  	[bflag:$0x0] =	sbarrier.arrive $0xFFFF  }
0x10: {  	[tilespmem:s9], [sflag:$0x2] =	stream.linear.gather [spmem:s4], $0x278, $0x38;
	[tilespmem:$0x2F80] =	vst v63  }
0x11: {  	s14 =	sadd.s32 $0x1, s14;
	_ =	swait.ge [sflag:s10], $0x278  }
0x12: {  	p1 =	sne.s32 s14, s8;
	[sflag:s10] =	ssyncset.done $0x0  }
.Ltmp1:
0x13: {  	[sflag:s10] =	ssyncadd.s32 $0xFFFFFD88;
	(pc) =	sbr.rel @!p1 .LBB2_13-.Ltmp1, $4  }
0x14: {  	[hbm4b:s7+s3] =	stream.linear.scatter [tilespmem:s9], [sflag:$0x2], $0x278, $0x38;
	[tilespmem:$0x2F80] =	vst v63  }
0x15: {  	_ =	swait.ge [sflag:s10], $0x278  }
0x16: {  	[sflag:s10] =	ssyncset.done $0x0  }
0x17: {  	[sflag:s10] =	ssyncadd.s32 $0xFFFFFD88  }
.LBB2_1:
0x18: {  	[tilespmem:$0x2A00] =	vst v0  }
0x19: {  	[tilespmem:$0x2A10] =	vst v0  }
0x1a: {  	[tilespmem:$0x2A20] =	vst v0  }
0x1b: {  	[tilespmem:$0x2A30] =	vst v0  }
0x1c: {  	[tilespmem:$0x2A40] =	vst v0  }
0x1d: {  	[tilespmem:$0x2A50] =	vst v0  }
0x1e: {  	[tilespmem:$0x2A60] =	vst v0  }
0x1f: {  	[tilespmem:$0x2A70] =	vst v0  }
0x20: {  	[tilespmem:$0x2A80] =	vst v1  }
0x21: {  	[tilespmem:$0x2A90] =	vst v1  }
0x22: {  	[tilespmem:$0x2AA0] =	vst v1  }
0x23: {  	[tilespmem:$0x2AB0] =	vst v1  }
0x24: {  	[tilespmem:$0x2AC0] =	vst v1  }
0x25: {  	[tilespmem:$0x2AD0] =	vst v1  }
0x26: {  	[tilespmem:$0x2AE0] =	vst v1  }
0x27: {  	[tilespmem:$0x2AF0] =	vst v1  }
0x28: {  	[tilespmem:$0x2B00] =	vst v1  }
0x29: {  	[tilespmem:$0x2B10] =	vst v1  }
0x2a: {  	[tilespmem:$0x2B20] =	vst v1  }
0x2b: {  	[tilespmem:$0x2B30] =	vst v1  }
0x2c: {  	[tilespmem:$0x2B40] =	vst v1  }
0x2d: {  	[tilespmem:$0x2B50] =	vst v1  }
0x2e: {  	[tilespmem:$0x2B60] =	vst v1  }
0x2f: {  	[tilespmem:$0x2B70] =	vst v1  }
0x30: {  	[tilespmem:$0x2B80] =	vst v1  }
0x31: {  	[tilespmem:$0x2B90] =	vst v1  }
0x32: {  	[tilespmem:$0x2BA0] =	vst v1  }
0x33: {  	[tilespmem:$0x2BB0] =	vst v1  }
0x34: {  	[tilespmem:$0x2BC0] =	vst v1  }
0x35: {  	[tilespmem:$0x2BD0] =	vst v1  }
0x36: {  	[tilespmem:$0x2BE0] =	vst v1  }
0x37: {  	[tilespmem:$0x2BF0] =	vst v1  }
0x38: {  	[tilespmem:$0x2C00] =	vst v1  }
0x39: {  	[tilespmem:$0x2C10] =	vst v1  }
0x3a: {  	[tilespmem:$0x2C20] =	vst v1  }
0x3b: {  	[tilespmem:$0x2C30] =	vst v1  }
0x3c: {  	[tilespmem:$0x2C40] =	vst v1  }
0x3d: {  	[tilespmem:$0x2C50] =	vst v1  }
0x3e: {  	[tilespmem:$0x2C60] =	vst v1  }
0x3f: {  	[tilespmem:$0x2C70] =	vst v1  }
0x40: {  	[tilespmem:$0x2C80] =	vst v1  }
0x41: {  	[tilespmem:$0x2C90] =	vst v1  }
0x42: {  	[tilespmem:$0x2CA0] =	vst v1  }
0x43: {  	[tilespmem:$0x2CB0] =	vst v1  }
0x44: {  	[tilespmem:$0x2CC0] =	vst v1  }
0x45: {  	[tilespmem:$0x2CD0] =	vst v1  }
0x46: {  	[tilespmem:$0x2CE0] =	vst v1  }
.Ltmp2:
0x47: {  	[tilespmem:$0x2CF0] =	vst v1;
	(pc) =	sbr.rel @p0 .LBB2_7-.Ltmp2, $4  }
0x48: {  	[spmem:s4] =	stream.linear.scatter [tilespmem:s9], [sflag:$0x2], $0x278, $0x38;
	[tilespmem:$0x2F80] =	vst v63  }
0x49: {  	_ =	swait.ge [sflag:s10], $0x278  }
0x4a: {  	[sflag:s10] =	ssyncset.done $0x0  }
0x4b: {  	s15 =	simm.s32 $0x0;
	[sflag:s10] =	ssyncadd.s32 $0xFFFFFD88  }
0x4c: {  	[tilespmem:s15], [sflag:$0x2] =	stream.linear.gather [hbm4b:s6+s15], $0x2A00, $0x38;
	[tilespmem:$0x2F80] =	vst v63  }
0x4d: {  	_ =	swait.ge [sflag:s10], $0x2A00  }
0x4e: {  	[sflag:s10] =	ssyncset.done $0x0  }
0x4f: {  	[sflag:s10] =	ssyncadd.s32 $0xFFFFD600  }
0x50: {  	[bflag:$0x0] =	sbarrier.arrive $0xFFFF  }
.LBB2_3:
0x51: {  	p1 =	sne.s32 s15, $0xA600  }
.Ltmp3:
0x52: {  	_ = 	snop;
	(pc) =	sbr.rel @p1 .LBB2_3-.Ltmp3, $3  }
0x53: {  	_ =	sdelay $0x1  }
0x54: {  	s16 =	sshra.s32 s15, $0x2;
	s15 =	sadd.s32 $0x200, s15  }
0x55: {  	[spmem:s2] =	stream.indirect.scatter.add.f32 [tilespmem:s12], [sflag:$0x1], $0x1, s16, s11, $0xb8;
	[tilespmem:$0x2F80] =	vst v63  }
0x56: {  	_ =	swait.ge [sflag:s13], $0x80  }
0x57: {  	s15 =	simm.s32 $0x53;
	[sflag:s13] =	ssyncset.done $0x0  }
.LBB2_5:
0x58: {  	p1 =	seq.s32 s15, $0x1;
	s15 =	sadd.s32 $0xFFFFFFFF, s15;
	[sflag:s13] =	ssyncadd.s32 $0xFFFFFF80  }
.Ltmp4:
0x59: {  	(pc) =	sbr.rel @!p1 .LBB2_5-.Ltmp4, $3  }
0x5a: {  	_ =	sdelay $0x1  }
0x5b: {  	_ =	swait.ge [sflag:s13], $0x80  }
0x5c: {  	[sflag:s13] =	ssyncset.done $0x0  }
.Ltmp5:
0x5d: {  	(pc) =	sbr.rel .LBB2_12-.Ltmp5, $2  }
0x5e: {  	_ =	sdelay $0x2  }
0x5f: {  	[sflag:s13] =	ssyncadd.s32 $0xFFFFFF80  }
.LBB2_7:
0x60: {  	[tilespmem:s15], [sflag:$0x2] =	stream.linear.gather [hbm4b:s5+s15], $0x2600, $0x38;
	[tilespmem:$0x2F80] =	vst v63  }
0x61: {  	_ =	swait.ge [sflag:s10], $0x2600  }
0x62: {  	[sflag:s10] =	ssyncset.done $0x0  }
0x63: {  	[sflag:s10] =	ssyncadd.s32 $0xFFFFDA00  }
0x64: {  	[bflag:$0x0] =	sbarrier.arrive $0xFFFF  }
.LBB2_8:
0x65: {  	p1 =	sne.s32 s15, $0x9600  }
.Ltmp6:
0x66: {  	_ = 	snop;
	(pc) =	sbr.rel @p1 .LBB2_8-.Ltmp6, $3  }
0x67: {  	_ =	sdelay $0x1  }
0x68: {  	s16 =	sshra.s32 s15, $0x2;
	s15 =	sadd.s32 $0x200, s15  }
0x69: {  	[spmem:s2] =	stream.indirect.scatter.add.f32 [tilespmem:s12], [sflag:$0x1], $0x1, s16, s11, $0xb8;
	[tilespmem:$0x2F80] =	vst v63  }
0x6a: {  	_ =	swait.ge [sflag:s13], $0x80  }
0x6b: {  	s15 =	simm.s32 $0x4B;
	[sflag:s13] =	ssyncset.done $0x0  }
.LBB2_10:
0x6c: {  	p1 =	sne.s32 s15, $0x1;
	s15 =	sadd.s32 $0xFFFFFFFF, s15;
	[sflag:s13] =	ssyncadd.s32 $0xFFFFFF80  }
.Ltmp7:
0x6d: {  	(pc) =	sbr.rel @p1 .LBB2_10-.Ltmp7, $3  }
0x6e: {  	_ =	sdelay $0x1  }
0x6f: {  	_ =	swait.ge [sflag:s13], $0x80  }
0x70: {  	[sflag:s13] =	ssyncset.done $0x0  }
.Ltmp8:
0x71: {  	_ = 	snop;
	(pc) =	sbr.rel .LBB2_11-.Ltmp8, $1  }
0x72: {  	_ =	sdelay $0x3  }
.LBB2_13:
0x73: {  	_ =	sfence.sel $0x180000  }
0x74: {  	[bflag:$0x0] =	sbarrier.arrive $0xFFFF  }
0x75: {  	p0 =	sne.s32 s0, $0x0;
	_ =	strace $0x90000047  }
0x76: {  	s0 =	sadd.s32 @!p0 $0x100000, s1;
	[bflag:$0x2] =	sbarrier.arrive $0xFFFF  }
0x77: {  	[sflag:s0] =	ssyncadd.tile.s32 @!p0 $0x1;
	_ =	shalt  }
.Lfunc_end2:
_tile_overlayer_lowered:
.L_overlay_start_2:
0x78: {  	(tag) =	ssettag $0x2  }
0x79: {  	s0 =	rddreg [dreg:$0x0];
	s2 =	stileid.u32  }
0x7a: {  	s1 =	rddreg [dreg:$0x1];
	p0 =	sne.s32 s2, $0x0  }
0x7b: {  	s3 =	rddreg [dreg:$0x2];
	[bflag:$0x3] =	sbarrier.arrive $0xFFFF;
	s2 =	simm.s32 @!p0 $0x1C02  }
0x7c: {  	[timem:s3], [sflag:s2] =	dma.local @!p0 [hbm:s0], s1  }
0x7d: {  	s0 =	simm.s32 @!p0 $0x2  }
0x7e: {  	_ =	swait.ge @!p0 [sflag:s0], s1  }
0x7f: {  	s1 =	ssub.s32 @!p0 $0x0, s1;
	[sflag:s0] =	ssyncset.done @!p0 $0x0  }
0x80: {  	[sflag:s0] =	ssyncadd.s32 @!p0 s1  }
0x81: {  	[bflag:$0x3] =	sbarrier.arrive $0xFFFF  }
0x82: {  	_ =	shalt  }

// kernel: kernel.9.cloned.1.call-start
scs
__scs_entry_jumppad:
0x0: {  	(pc) =	sbr.rel $0x88, $3  }
0x1: {  	(tag) =	ssettag $0x0;
	lr =	simm.s32 $0x1  }
0x2: {  	[smem:$0x3F99] =	sst lr;
	_ =	strace $0xD0000000  }
0x3: {  	_ = 	snop  }
0x4: {  	_ = 	snop  }
0x5: {  	_ = 	snop  }
0x6: {  	_ = 	snop  }
0x7: {  	_ = 	snop  }
__scs_overlays_trampoline_lowered:
0x8: {  	[smem:$0x3FA8] =	sst s0  }
0x9: {  	[smem:$0x3FA9] =	sst s1  }
0xa: {  	[smem:$0x3FAA] =	sst s2  }
0xb: {  	[smem:$0x3FAB] =	sst s3  }
0xc: {  	[smem:$0x3FAC] =	sst s4  }
0xd: {  	[smem:$0x3FAD] =	sst s5  }
0xe: {  	[smem:$0x3FAE] =	sst s6  }
0xf: {  	[smem:$0x3FAF] =	sst s7  }
0x10: {  	[smem:$0x3FB0] =	sst s8  }
0x11: {  	[smem:$0x3FB1] =	sst s9;
	s0 =	simm.s32 @!p0 $0x0  }
0x12: {  	s1 =	sld [smem:$0x3F97];
	s0 =	simm.s32 @p0 $0x1  }
0x13: {  	[smem:$0x3FB2] =	sst s0;
	s0 =	simm.s32 @!p1 $0x0  }
0x14: {  	s2 =	sld [smem:$0x3F96];
	s0 =	simm.s32 @p1 $0x1  }
0x15: {  	[smem:$0x3FB3] =	sst s0;
	s0 =	simm.s32 @!p2 $0x0  }
0x16: {  	s3 =	sld [smem:$0x3FDB];
	s0 =	simm.s32 @p2 $0x1  }
0x17: {  	s4 =	simm.s32 $0x1BF5;
	[smem:$0x3FB5] =	sst s0  }
0x18: {  	s0 =	sld [smem:$0x3F98];
	_ =	swait.ge [sflag:s4], $0x0  }
0x19: {  	s7 =	sld [smem:$0x3F99]  }
0x1a: {  	s8 =	sadd.s32 $0xFFFFE003, lr  }
0x1b: {  	s9 =	sadd.s32 $0xFFFFFEF7, lr;
	s5 =	simm.s32 $0xFFFFFFFF;
	p2 =	slt.u32 s8, $0xFFFFF086  }
0x1c: {  	p1 =	slt.u32 s9, $0xF7A;
	s5 =	simm.s32 @!p2 $0x0  }
0x1d: {  	s5 =	simm.s32 @p1 $0x1;
	p0 =	seq.s32 s7, s2  }
0x1e: {  	s7 =	smul.u32 @!p0 $0xF7A, s2;
	p2 =	seq.s32 @!p0 s5, $0x0  }
0x1f: {  	s9 =	smul.u32 $0xF7A, s1;
	s8 =	simm.s32 @!p0 $0x1BF5;
	p2 =	por !p2, p0  }
0x20: {  	[sflag:s8] =	ssyncset.s32 @!p0 $0xFFFFF086;
	s6 =	sadd.s32 @!p0 s3, s7;
	s7 =	simm.s32 @!p0 $0x108  }
0x21: {  	s3 =	sadd.s32 s3, s9;
	s6 =	sadd.s32 @!p0 $0x88, s6;
	s7 =	simm.s32 @p2 $0x1082  }
0x22: {  	[simem:s7], [sflag:s8] =	dma.local @!p0 [hbm:s6], $0xF7A  }
0x23: {  	s9 =	sor.u32 $0xD0000000, s2;
	s6 =	simm.s32 $0x108;
	_ =	swait.ge @!p0 [sflag:s8], $0x0  }
0x24: {  	s3 =	sadd.s32 $0x88, s3;
	s6 =	simm.s32 @!p1 $0x1082;
	[sflag:s4] =	ssyncset.s32 $0xFFFFF086  }
0x25: {  	[simem:s6], [sflag:s4] =	dma.local [hbm:s3], $0xF7A  }
0x26: {  	[smem:$0x3F99] =	sst s1;
	(tag) =	ssettag s2;
	_ =	strace s9  }
0x27: {  	s1 =	sld [smem:$0x3FA9]  }
0x28: {  	s2 =	sld [smem:$0x3FAA]  }
0x29: {  	s4 =	sld [smem:$0x3FAC]  }
0x2a: {  	p0 =	seq.s32 s5, $0x0;
	s5 =	sld [smem:$0x3FAD]  }
0x2b: {  	s6 =	sld [smem:$0x3FAE]  }
0x2c: {  	s7 =	sld [smem:$0x3FAF]  }
0x2d: {  	s3 =	simm.s32 $0x108;
	s8 =	sld [smem:$0x3FB0]  }
0x2e: {  	s3 =	simm.s32 @!p0 $0x1082;
	s9 =	sld [smem:$0x3FB1]  }
0x2f: {  	lr =	sadd.s32 s0, s3;
	s0 =	sld [smem:$0x3FA8]  }
0x30: {  	s3 =	sld [smem:$0x3FAB]  }
0x31: {  	[smem:$0x3FB4] =	sst s10  }
0x32: {  	s10 =	sld [smem:$0x3FB2];
	_ =	sdelay $0x3  }
0x33: {  	p0 =	seq.s32 s10, $0x1;
	s10 =	sld [smem:$0x3FB4];
	_ =	sdelay $0x3  }
0x34: {  	[smem:$0x3FB4] =	sst s10  }
0x35: {  	s10 =	sld [smem:$0x3FB3];
	_ =	sdelay $0x3  }
0x36: {  	p1 =	seq.s32 s10, $0x1;
	s10 =	sld [smem:$0x3FB4];
	_ =	sdelay $0x3  }
0x37: {  	[smem:$0x3FB4] =	sst s10  }
0x38: {  	s10 =	sld [smem:$0x3FB5]  }
0x39: {  	_ = 	snop;
	(pc) =	sbr.ind lr, $3  }
0x3a: {  	_ = 	snop  }
0x3b: {  	_ = 	snop  }
0x3c: {  	p2 =	seq.s32 s10, $0x1;
	s10 =	sld [smem:$0x3FB4]  }
0x3d: {  	_ =	shalt  }
0x3e: {  	_ =	shalt  }
0x3f: {  	_ =	shalt  }
0x40: {  	_ =	shalt  }
0x41: {  	_ =	shalt  }
0x42: {  	_ =	shalt  }
0x43: {  	_ =	shalt  }
0x44: {  	_ =	shalt  }
0x45: {  	_ =	shalt  }
0x46: {  	_ =	shalt  }
0x47: {  	_ =	shalt  }
0x48: {  	_ =	shalt  }
0x49: {  	_ =	shalt  }
0x4a: {  	_ =	shalt  }
0x4b: {  	_ =	shalt  }
0x4c: {  	_ =	shalt  }
0x4d: {  	_ =	shalt  }
0x4e: {  	_ =	shalt  }
0x4f: {  	_ =	shalt  }
0x50: {  	_ =	shalt  }
0x51: {  	_ =	shalt  }
0x52: {  	_ =	shalt  }
0x53: {  	_ =	shalt  }
0x54: {  	_ =	shalt  }
0x55: {  	_ =	shalt  }
0x56: {  	_ =	shalt  }
0x57: {  	_ =	shalt  }
0x58: {  	_ =	shalt  }
0x59: {  	_ =	shalt  }
0x5a: {  	_ =	shalt  }
0x5b: {  	_ =	shalt  }
0x5c: {  	_ =	shalt  }
0x5d: {  	_ =	shalt  }
0x5e: {  	_ =	shalt  }
0x5f: {  	_ =	shalt  }
0x60: {  	_ =	shalt  }
0x61: {  	_ =	shalt  }
0x62: {  	_ =	shalt  }
0x63: {  	_ =	shalt  }
0x64: {  	_ =	shalt  }
0x65: {  	_ =	shalt  }
0x66: {  	_ =	shalt  }
0x67: {  	_ =	shalt  }
0x68: {  	_ =	shalt  }
0x69: {  	_ =	shalt  }
0x6a: {  	_ =	shalt  }
0x6b: {  	_ =	shalt  }
0x6c: {  	_ =	shalt  }
0x6d: {  	_ =	shalt  }
0x6e: {  	_ =	shalt  }
0x6f: {  	_ =	shalt  }
0x70: {  	_ =	shalt  }
0x71: {  	_ =	shalt  }
0x72: {  	_ =	shalt  }
0x73: {  	_ =	shalt  }
0x74: {  	_ =	shalt  }
0x75: {  	_ =	shalt  }
0x76: {  	_ =	shalt  }
0x77: {  	_ =	shalt  }
0x78: {  	_ =	shalt  }
0x79: {  	_ =	shalt  }
0x7a: {  	_ =	shalt  }
0x7b: {  	_ =	shalt  }
0x7c: {  	_ =	shalt  }
0x7d: {  	_ =	shalt  }
0x7e: {  	_ =	shalt  }
0x7f: {  	_ =	shalt  }
0x80: {  	_ =	shalt  }
0x81: {  	_ =	shalt  }
0x82: {  	_ =	shalt  }
0x83: {  	_ =	shalt  }
0x84: {  	_ =	shalt  }
0x85: {  	_ =	shalt  }
0x86: {  	_ =	shalt  }
0x87: {  	_ =	shalt  }
.Lfunc_end0:
.L_simem_size_0:
called_computation.1_lowered:
.L_overlay_start_0:
0x88: {  	s2 =	sld [smem:$0x3FD9]  }
0x89: {  	s3 =	sld [smem:$0x3FFE];
	_ =	sdelay $0x1  }
0x8a: {  	s1 =	srdreg.scid  }
0x8b: {  	s0 =	sand.u32 $0x1, s1  }
0x8c: {  	s16 =	sshll.u32 s0, $0xA;
	s2 =	sadd.s32 s3, s2  }
0x8d: {  	s2 =	sadd.s32 s2, s16  }
0x8e: {  	[smem:$0x3FC0] =	sst s2  }
0x8f: {  	_ = 	snop  }
0x90: {  	(tm) =	ssettm $0x1  }
0x91: {  	s17 =	sld [smem:$0x3FFB];
	_ =	sdelay $0x3  }
0x92: {  	_ =	strace s17  }
0x93: {  	s2 =	sld [smem:$0x3FFC];
	_ =	sdelay $0x3  }
0x94: {  	_ =	strace s2  }
0x95: {  	s2 =	sld [smem:$0x3FFD];
	_ =	sdelay $0x3  }
0x96: {  	_ =	strace s2  }
0x97: {  	_ =	strace $0x8FFFFFFF  }
0x98: {  	s18 =	sld [smem:$0x3FDB];
	_ =	sdelay $0x1  }
0x99: {  	s19 =	simm.s32 $_scs_section_size  }
0x9a: {  	s4 =	simm.s32 $_size__tile_overlayer_lowered;
	s5 =	simm.s32 $_tile_overlayer_lowered  }
0x9b: {  	s22 =	simm.s32 $0x1BFF;
	s21 =	sshll.u32 s5, $0x1;
	s2 =	sadd.s32 s19, s18  }
0x9c: {  	s6 =	simm.s32 $0x0;
	s20 =	sshll.u32 s4, $0x1;
	s4 =	sadd.s32 s21, s2  }
0x9d: {  	[timem:s6], [sflag:s22] =	dma.local [hbm:s4], s20  }
0x9e: {  	_ =	swait.ge [sflag:s22], s20  }
0x9f: {  	s3 =	ssub.s32 $0x0, s20;
	[sflag:s22] =	ssyncset.done $0x0  }
0xa0: {  	[sflag:s22] =	ssyncadd.s32 s3;
	_ =	sdelay $0x1  }
0xa1: {  	s23 =	simm.s32 $0x1B8B  }
0xa2: {  	_ =	swait.ge [sflag:s23], $0x1  }
0xa3: {  	[sflag:s23] =	ssyncset.done $0x0  }
0xa4: {  	s25 =	simm.s32 $0x1B8E;
	s24 =	sld [smem:$0x3FFE];
	[sflag:s23] =	ssyncadd.s32 $0xFFFFFFFF  }
0xa5: {  	s26 =	simm.s32 $execute0_lowered;
	[smem:$0x3FD2] =	sst s25  }
0xa6: {  	s4 =	sshll.u32 s26, $0x1;
	_ =	strace $0x80000049;
	[dreg:$0x1] =	wrdreg $0xFFFFFFFF  }
0xa7: {  	s28 =	simm.s32 $_size_execute0_lowered;
	s2 =	sadd.s32 s2, s4;
	[dreg:$0x0] =	wrdreg $0x0  }
0xa8: {  	s4 =	sshll.u32 s28, $0x1;
	[dreg:$0x2] =	wrdreg s2  }
0xa9: {  	[dreg:$0x3] =	wrdreg s4  }
0xaa: {  	[dreg:$0x4] =	wrdreg $0xC0  }
0xab: {  	_ =	task [dreg:s6], $0x5FFFF  }
0xac: {  	[dreg:$0x1] =	wrdreg $0xFFFFFFFF  }
0xad: {  	[dreg:$0x0] =	wrdreg $0x60  }
0xae: {  	[dreg:$0x2] =	wrdreg s24  }
0xaf: {  	[dreg:$0x3] =	wrdreg $0x74000  }
0xb0: {  	[dreg:$0x4] =	wrdreg $0x9B800  }
0xb1: {  	[dreg:$0x5] =	wrdreg $0x9  }
0xb2: {  	_ =	task.clear_ibuf [dreg:s6], $0x6FFFF;
	_ =	strace $0x90000049  }
0xb3: {  	s29 =	simm.s32 $0x9;
	_ =	strace $0x8000004B  }
0xb4: {  	_ =	swait.ge [sflag:s29], $0x1  }
0xb5: {  	[sflag:s29] =	ssyncadd.s32 $0xFFFFFFFF  }
0xb6: {  	_ =	strace $0x9000004B  }
0xb7: {  	_ =	sfence  }
0xb8: {  	s30 =	sld [smem:$0x0];
	_ =	sdelay $0x2  }
0xb9: {  	s31 =	sshll.u32 s1, $0xD;
	s1 =	sshrl.u32 s1, $0x2  }
0xba: {  	s3 =	sand.u32 $0x4000, s31;
	s1 =	sadd.s32 s1, s30  }
0xbb: {  	s0 =	sor.u32 s3, s0;
	s1 =	sshll.u32 s1, $0x11  }
0xbc: {  	s0 =	sor.u32 s1, s0  }
0xbd: {  	s0 =	sadd.s32 $0x8F2B, s0  }
0xbe: {  	[sflag:s0] =	ssyncadd.remote.s32 $0x1  }
0xbf: {  	_ =	sfence.sel $0xFFFF  }
0xc0: {  	[dreg:$0x0] =	wrdreg $0xFFFFFFFF;
	(pc) =	sbr.abs _section_cstart, $3  }
0xc1: {  	[dreg:$0x1] =	wrdreg $0xFFFFFFFF  }
0xc2: {  	_ =	task.clear_ibuf [dreg:s6], $0x2FFFF;
	_ =	strace $0x9FFFFFFF  }
0xc3: {  	(tm) =	ssettm $0x7FFFFFFF  }
tec
execute0_lowered:
.L_overlay_start_1:
0x0: {  	(tag) =	ssettag $0x1  }
0x1: {  	s0 =	rddreg [dreg:$0x0]  }
0x2: {  	s2 =	rddreg [dreg:$0x1]  }
0x3: {  	s3 =	rddreg [dreg:$0x2];
	s12 =	stileid.u32  }
0x4: {  	s4 =	simm.s32 $0x0;
	s5 =	srdreg.scid;
	s17 =	simm.s32 $0x2A00  }
0x5: {  	s18 =	simm.s32 $0x80;
	s19 =	simm.s32 $0x5400;
	s20 =	simm.s32 $0x5C00  }
0x6: {  	s21 =	simm.s32 $0x100;
	s22 =	simm.s32 $0x6400;
	s23 =	simm.s32 $0x180  }
0x7: {  	s24 =	simm.s32 $0x6C00;
	s28 =	simm.s32 $0x3;
	s1 =	smul.u32 $0x4F00, s12  }
0x8: {  	s29 =	simm.s32 $0x4;
	[smem:$0x7FF] =	sst s4;
	s25 =	smul.u32 $0x4F0, s12  }
0x9: {  	s14 =	sand.u32 $0x1, s5;
	s10 =	sadd.s32 $0x11200, s0;
	s9 =	smul.u32 $0x2600, s12  }
0xa: {  	s11 =	sadd.s32 $0x1800, s0;
	s30 =	sshll.u32 s12, $0x6;
	s12 =	smul.u32 $0x540, s12  }
0xb: {  	_ =	strace $0x8000004A;
	s6 =	smul.u32 $0x4F00, s14;
	s26 =	ssub.s32 $0x2, s14  }
0xc: {  	p0 =	seq.s32 s14, $0x0;
	s7 =	sshrl.u32 s1, $0x4;
	s8 =	sshrl.u32 s26, $0x1  }
0xd: {  	s1 =	sshrl.u32 s1, $0x1;
	s31 =	sshrl.u32 s9, $0x3;
	s7 =	sadd.s32 s7, s0  }
0xe: {  	s5 =	sadd.s32 s25, s6;
	s13 =	ssub.s32 s26, s8;
	s15 =	sadd.s32 s1, s2  }
0xf: {  	s6 =	sor.u32 $0x1C05, s30;
	s9 =	sadd.s32 $0x5400, s31;
	s1 =	sadd.s32 s1, s3  }
.Ltmp0:
0x10: {  	s25 =	simm.s32 $0x1;
	s26 =	simm.s32 $0x2;
	(pc) =	sbr.rel .LBB2_1-.Ltmp0, $4  }
0x11: {  	s0 =	sadd.s32 s5, s0;
	s5 =	sadd.s32 $0xC200, s7;
	s7 =	sadd.s32 $0x1B200, s7  }
0x12: {  	s8 =	sadd.s32 s10, s9;
	s9 =	sadd.s32 s11, s9;
	s10 =	sadd.s32 s10, s12  }
0x13: {  	s11 =	sadd.s32 s11, s12;
	s13 =	smax.u32 s13, $0x1;
	s14 =	sshrl.u32 s15, $0x3  }
0x14: {  	s15 =	simm.s32 $0x5;
	s16 =	sshrl.u32 s1, $0x3;
	s12 =	sadd.s32 $0x20200, s0  }
.LBB2_7:
0x15: {  	[tilespmem:s24], [sflag:$0x4] =	stream.indirect.gather [spmem:s3], $0x10, s0, s18, $0xb8;
	[tilespmem:$0xC300] =	vst v63  }
0x16: {  	s30 =	simm.s32 $0x5380  }
0x17: {  	s31 =	simm.s32 $0x5300;
	s0 =	simm.s32 $0x5280;
	s1 =	simm.s32 $0x5200  }
.LBB2_8:
0x18: {  	_ =	swait.ge [sflag:s25], $0x800  }
0x19: {  	[sflag:s25] =	ssyncset.done $0x0  }
0x1a: {  	[sflag:s25] =	ssyncadd.s32 $0xFFFFF800  }
0x1b: {  	[spmem:s2] =	stream.indirect.scatter.add.bf16 [tilespmem:s19], [sflag:$0x5], $0x10, s1, s18, $0xb8;
	[tilespmem:$0xC300] =	vst v63  }
0x1c: {  	_ =	swait.ge [sflag:s15], $0x800  }
0x1d: {  	[sflag:s15] =	ssyncset.done $0x0  }
0x1e: {  	[sflag:s15] =	ssyncadd.s32 $0xFFFFF800  }
0x1f: {  	_ =	swait.ge [sflag:s26], $0x800  }
0x20: {  	[sflag:s26] =	ssyncset.done $0x0  }
0x21: {  	[sflag:s26] =	ssyncadd.s32 $0xFFFFF800  }
0x22: {  	[spmem:s2] =	stream.indirect.scatter.add.bf16 [tilespmem:s20], [sflag:$0x5], $0x10, s0, s18, $0xb8;
	[tilespmem:$0xC300] =	vst v63  }
0x23: {  	_ =	swait.ge [sflag:s15], $0x800  }
0x24: {  	[sflag:s15] =	ssyncset.done $0x0  }
0x25: {  	[sflag:s15] =	ssyncadd.s32 $0xFFFFF800  }
0x26: {  	_ =	swait.ge [sflag:s28], $0x800  }
0x27: {  	[sflag:s28] =	ssyncset.done $0x0  }
0x28: {  	[sflag:s28] =	ssyncadd.s32 $0xFFFFF800  }
0x29: {  	[spmem:s2] =	stream.indirect.scatter.add.bf16 [tilespmem:s22], [sflag:$0x5], $0x10, s31, s18, $0xb8;
	[tilespmem:$0xC300] =	vst v63  }
0x2a: {  	_ =	swait.ge [sflag:s15], $0x800  }
0x2b: {  	[sflag:s15] =	ssyncset.done $0x0  }
0x2c: {  	[sflag:s15] =	ssyncadd.s32 $0xFFFFF800  }
0x2d: {  	_ =	swait.ge [sflag:s29], $0x800  }
0x2e: {  	[sflag:s29] =	ssyncset.done $0x0  }
0x2f: {  	[sflag:s29] =	ssyncadd.s32 $0xFFFFF800  }
0x30: {  	[spmem:s2] =	stream.indirect.scatter.add.bf16 [tilespmem:s24], [sflag:$0x5], $0x10, s30, s18, $0xb8;
	[tilespmem:$0xC300] =	vst v63  }
0x31: {  	_ =	swait.ge [sflag:s15], $0x800  }
0x32: {  	s4 =	sadd.s32 $0x1, s4;
	[sflag:s15] =	ssyncset.done $0x0  }
0x33: {  	p1 =	sne.s32 s4, s13;
	[sflag:s15] =	ssyncadd.s32 $0xFFFFF800  }
.Ltmp1:
0x34: {  	[bflag:$0x0] =	sbarrier.arrive $0xFFFF;
	(pc) =	sbr.rel @!p1 .LBB2_9-.Ltmp1, $4  }
0x35: {  	[hbm:s12], [sflag:s6] =	dma.local [spmem:s14], $0x4F0  }
0x36: {  	_ =	swait.ge [sflag:s15], $0x4F0  }
0x37: {  	[sflag:s15] =	ssyncset.done $0x0  }
0x38: {  	[sflag:s15] =	ssyncadd.s32 $0xFFFFFB10  }
.LBB2_1:
0x39: {  	[spmem:s14], [sflag:s6] =	dma.local [hbm:s5], $0x4F0  }
0x3a: {  	_ =	swait.ge [sflag:s15], $0x4F0  }
0x3b: {  	[sflag:s15] =	ssyncset.done $0x0  }
.Ltmp2:
0x3c: {  	[sflag:s15] =	ssyncadd.s32 $0xFFFFFB10;
	(pc) =	sbr.rel @!p0 .LBB2_2-.Ltmp2, $4  }
0x3d: {  	[spmem:s16], [sflag:s6] =	dma.local [hbm:s7], $0x4F0  }
0x3e: {  	_ =	swait.ge [sflag:s15], $0x4F0  }
0x3f: {  	[sflag:s15] =	ssyncset.done $0x0  }
0x40: {  	s0 =	simm.s32 $0x0;
	[sflag:s15] =	ssyncadd.s32 $0xFFFFFB10  }
0x41: {  	[tilespmem:s0], [sflag:$0x5] =	stream.linear.gather [hbm4b:s10+s0], $0x2A00, $0x38;
	[tilespmem:$0xC300] =	vst v63  }
0x42: {  	_ =	swait.ge [sflag:s15], $0x2A00  }
0x43: {  	[sflag:s15] =	ssyncset.done $0x0  }
0x44: {  	[sflag:s15] =	ssyncadd.s32 $0xFFFFD600  }
0x45: {  	[tilespmem:s17], [sflag:$0x5] =	stream.linear.gather [hbm4b:s11+s0], $0x2A00, $0x38;
	[tilespmem:$0xC300] =	vst v63  }
0x46: {  	_ =	swait.ge [sflag:s15], $0x2A00  }
0x47: {  	[sflag:s15] =	ssyncset.done $0x0  }
0x48: {  	[sflag:s15] =	ssyncadd.s32 $0xFFFFD600  }
0x49: {  	[bflag:$0x0] =	sbarrier.arrive $0xFFFF  }
0x4a: {  	[tilespmem:s19], [sflag:$0x1] =	stream.indirect.gather [spmem:s3], $0x10, s0, s18, $0xb8;
	[tilespmem:$0xC300] =	vst v63  }
0x4b: {  	_ = 	snop  }
0x4c: {  	[tilespmem:s20], [sflag:$0x2] =	stream.indirect.gather [spmem:s3], $0x10, s18, s18, $0xb8;
	[tilespmem:$0xC300] =	vst v63  }
0x4d: {  	_ = 	snop  }
0x4e: {  	[tilespmem:s22], [sflag:$0x3] =	stream.indirect.gather [spmem:s3], $0x10, s21, s18, $0xb8;
	[tilespmem:$0xC300] =	vst v63  }
0x4f: {  	_ = 	snop  }
0x50: {  	[tilespmem:s24], [sflag:$0x4] =	stream.indirect.gather [spmem:s3], $0x10, s23, s18, $0xb8;
	[tilespmem:$0xC300] =	vst v63  }
0x51: {  	_ =	swait.ge [sflag:s25], $0x800  }
0x52: {  	[sflag:s25] =	ssyncset.done $0x0  }
0x53: {  	s31 =	simm.s32 $0x2A00;
	[sflag:s25] =	ssyncadd.s32 $0xFFFFF800  }
0x54: {  	[spmem:s2] =	stream.indirect.scatter.add.bf16 [tilespmem:s19], [sflag:$0x5], $0x10, s31, s18, $0xb8;
	[tilespmem:$0xC300] =	vst v63  }
0x55: {  	_ =	swait.ge [sflag:s15], $0x800  }
0x56: {  	[sflag:s15] =	ssyncset.done $0x0  }
0x57: {  	s1 =	simm.s32 $0x200;
	[sflag:s15] =	ssyncadd.s32 $0xFFFFF800  }
0x58: {  	[tilespmem:s19], [sflag:$0x1] =	stream.indirect.gather [spmem:s3], $0x10, s1, s18, $0xb8;
	[tilespmem:$0xC300] =	vst v63  }
0x59: {  	_ =	swait.ge [sflag:s26], $0x800  }
0x5a: {  	[sflag:s26] =	ssyncset.done $0x0  }
0x5b: {  	s31 =	simm.s32 $0x2A80;
	[sflag:s26] =	ssyncadd.s32 $0xFFFFF800  }
0x5c: {  	[spmem:s2] =	stream.indirect.scatter.add.bf16 [tilespmem:s20], [sflag:$0x5], $0x10, s31, s18, $0xb8;
	[tilespmem:$0xC300] =	vst v63  }
0x5d: {  	_ =	swait.ge [sflag:s15], $0x800  }
0x5e: {  	[sflag:s15] =	ssyncset.done $0x0  }
0x5f: {  	s1 =	simm.s32 $0x280;
	[sflag:s15] =	ssyncadd.s32 $0xFFFFF800  }
0x60: {  	[tilespmem:s20], [sflag:$0x2] =	stream.indirect.gather [spmem:s3], $0x10, s1, s18, $0xb8;
	[tilespmem:$0xC300] =	vst v63  }
0x61: {  	_ =	swait.ge [sflag:s28], $0x800  }
0x62: {  	[sflag:s28] =	ssyncset.done $0x0  }
0x63: {  	s31 =	simm.s32 $0x2B00;
	[sflag:s28] =	ssyncadd.s32 $0xFFFFF800  }
0x64: {  	[spmem:s2] =	stream.indirect.scatter.add.bf16 [tilespmem:s22], [sflag:$0x5], $0x10, s31, s18, $0xb8;
	[tilespmem:$0xC300] =	vst v63  }
0x65: {  	_ =	swait.ge [sflag:s15], $0x800  }
0x66: {  	[sflag:s15] =	ssyncset.done $0x0  }
0x67: {  	s1 =	simm.s32 $0x300;
	[sflag:s15] =	ssyncadd.s32 $0xFFFFF800  }
0x68: {  	[tilespmem:s22], [sflag:$0x3] =	stream.indirect.gather [spmem:s3], $0x10, s1, s18, $0xb8;
	[tilespmem:$0xC300] =	vst v63  }
0x69: {  	_ =	swait.ge [sflag:s29], $0x800  }
0x6a: {  	p1 =	por $0x0, $0x0;
	[sflag:s29] =	ssyncset.done $0x0  }
.Ltmp3:
0x6b: {  	s31 =	simm.s32 $0x2B80;
	[sflag:s29] =	ssyncadd.s32 $0xFFFFF800;
	(pc) =	sbr.rel @p1 .LBB2_7-.Ltmp3, $4  }
0x6c: {  	[spmem:s2] =	stream.indirect.scatter.add.bf16 [tilespmem:s24], [sflag:$0x5], $0x10, s31, s18, $0xb8;
	[tilespmem:$0xC300] =	vst v63  }
0x6d: {  	_ =	swait.ge [sflag:s15], $0x800  }
0x6e: {  	[sflag:s15] =	ssyncset.done $0x0  }
0x6f: {  	s30 =	simm.s32 $0x800;
	s0 =	simm.s32 $0x380;
	[sflag:s15] =	ssyncadd.s32 $0xFFFFF800  }
.LBB2_6:
0x70: {  	[tilespmem:s24], [sflag:$0x4] =	stream.indirect.gather [spmem:s3], $0x10, s0, s18, $0xb8;
	[tilespmem:$0xC300] =	vst v63  }
0x71: {  	s0 =	smov.u32 s30  }
0x72: {  	p1 =	seq.s32 s30, $0x9800;
	s30 =	sadd.s32 $0x800, s30;
	_ =	swait.ge [sflag:s25], $0x800  }
0x73: {  	s31 =	sshra.s32 s0, $0x2;
	[sflag:s25] =	ssyncset.done $0x0  }
0x74: {  	s0 =	sadd.s32 $0x2A00, s31;
	[sflag:s25] =	ssyncadd.s32 $0xFFFFF800  }
0x75: {  	[spmem:s2] =	stream.indirect.scatter.add.bf16 [tilespmem:s19], [sflag:$0x5], $0x10, s0, s18, $0xb8;
	[tilespmem:$0xC300] =	vst v63  }
0x76: {  	_ =	swait.ge [sflag:s15], $0x800  }
0x77: {  	[sflag:s15] =	ssyncset.done $0x0  }
0x78: {  	s0 =	sadd.s32 $0x200, s31;
	[sflag:s15] =	ssyncadd.s32 $0xFFFFF800  }
0x79: {  	[tilespmem:s19], [sflag:$0x1] =	stream.indirect.gather [spmem:s3], $0x10, s0, s18, $0xb8;
	[tilespmem:$0xC300] =	vst v63  }
0x7a: {  	_ =	swait.ge [sflag:s26], $0x800  }
0x7b: {  	[sflag:s26] =	ssyncset.done $0x0  }
0x7c: {  	s0 =	sadd.s32 $0x2A80, s31;
	[sflag:s26] =	ssyncadd.s32 $0xFFFFF800  }
0x7d: {  	[spmem:s2] =	stream.indirect.scatter.add.bf16 [tilespmem:s20], [sflag:$0x5], $0x10, s0, s18, $0xb8;
	[tilespmem:$0xC300] =	vst v63  }
0x7e: {  	_ =	swait.ge [sflag:s15], $0x800  }
0x7f: {  	[sflag:s15] =	ssyncset.done $0x0  }
0x80: {  	s0 =	sadd.s32 $0x280, s31;
	[sflag:s15] =	ssyncadd.s32 $0xFFFFF800  }
0x81: {  	[tilespmem:s20], [sflag:$0x2] =	stream.indirect.gather [spmem:s3], $0x10, s0, s18, $0xb8;
	[tilespmem:$0xC300] =	vst v63  }
0x82: {  	_ =	swait.ge [sflag:s28], $0x800  }
0x83: {  	[sflag:s28] =	ssyncset.done $0x0  }
0x84: {  	s0 =	sadd.s32 $0x2B00, s31;
	[sflag:s28] =	ssyncadd.s32 $0xFFFFF800  }
0x85: {  	[spmem:s2] =	stream.indirect.scatter.add.bf16 [tilespmem:s22], [sflag:$0x5], $0x10, s0, s18, $0xb8;
	[tilespmem:$0xC300] =	vst v63  }
0x86: {  	_ =	swait.ge [sflag:s15], $0x800  }
0x87: {  	[sflag:s15] =	ssyncset.done $0x0  }
0x88: {  	s0 =	sadd.s32 $0x300, s31;
	[sflag:s15] =	ssyncadd.s32 $0xFFFFF800  }
0x89: {  	[tilespmem:s22], [sflag:$0x3] =	stream.indirect.gather [spmem:s3], $0x10, s0, s18, $0xb8;
	[tilespmem:$0xC300] =	vst v63  }
0x8a: {  	_ =	swait.ge [sflag:s29], $0x800  }
0x8b: {  	[sflag:s29] =	ssyncset.done $0x0  }
.Ltmp4:
0x8c: {  	s0 =	sadd.s32 $0x2B80, s31;
	[sflag:s29] =	ssyncadd.s32 $0xFFFFF800;
	(pc) =	sbr.rel @!p1 .LBB2_6-.Ltmp4, $4  }
0x8d: {  	[spmem:s2] =	stream.indirect.scatter.add.bf16 [tilespmem:s24], [sflag:$0x5], $0x10, s0, s18, $0xb8;
	[tilespmem:$0xC300] =	vst v63  }
0x8e: {  	_ =	swait.ge [sflag:s15], $0x800  }
0x8f: {  	[sflag:s15] =	ssyncset.done $0x0  }
0x90: {  	s0 =	sadd.s32 $0x380, s31;
	[sflag:s15] =	ssyncadd.s32 $0xFFFFF800  }
.Ltmp5:
0x91: {  	_ = 	snop;
	(pc) =	sbr.rel .LBB2_7-.Ltmp5, $1  }
0x92: {  	_ =	sdelay $0x3  }
.LBB2_2:
0x93: {  	[tilespmem:s0], [sflag:$0x5] =	stream.linear.gather [hbm4b:s8+s0], $0x2600, $0x38;
	[tilespmem:$0xC300] =	vst v63  }
0x94: {  	_ =	swait.ge [sflag:s15], $0x2600  }
0x95: {  	[sflag:s15] =	ssyncset.done $0x0  }
0x96: {  	[sflag:s15] =	ssyncadd.s32 $0xFFFFDA00  }
0x97: {  	[tilespmem:s17], [sflag:$0x5] =	stream.linear.gather [hbm4b:s9+s0], $0x2600, $0x38;
	[tilespmem:$0xC300] =	vst v63  }
0x98: {  	_ =	swait.ge [sflag:s15], $0x2600  }
0x99: {  	[sflag:s15] =	ssyncset.done $0x0  }
0x9a: {  	[sflag:s15] =	ssyncadd.s32 $0xFFFFDA00  }
0x9b: {  	[bflag:$0x0] =	sbarrier.arrive $0xFFFF  }
0x9c: {  	[tilespmem:s19], [sflag:$0x1] =	stream.indirect.gather [spmem:s3], $0x10, s0, s18, $0xb8;
	[tilespmem:$0xC300] =	vst v63  }
0x9d: {  	_ = 	snop  }
0x9e: {  	[tilespmem:s20], [sflag:$0x2] =	stream.indirect.gather [spmem:s3], $0x10, s18, s18, $0xb8;
	[tilespmem:$0xC300] =	vst v63  }
0x9f: {  	_ = 	snop  }
0xa0: {  	[tilespmem:s22], [sflag:$0x3] =	stream.indirect.gather [spmem:s3], $0x10, s21, s18, $0xb8;
	[tilespmem:$0xC300] =	vst v63  }
0xa1: {  	_ = 	snop  }
0xa2: {  	[tilespmem:s24], [sflag:$0x4] =	stream.indirect.gather [spmem:s3], $0x10, s23, s18, $0xb8;
	[tilespmem:$0xC300] =	vst v63  }
0xa3: {  	_ =	swait.ge [sflag:s25], $0x800  }
0xa4: {  	[sflag:s25] =	ssyncset.done $0x0  }
0xa5: {  	s31 =	simm.s32 $0x2A00;
	[sflag:s25] =	ssyncadd.s32 $0xFFFFF800  }
0xa6: {  	[spmem:s2] =	stream.indirect.scatter.add.bf16 [tilespmem:s19], [sflag:$0x5], $0x10, s31, s18, $0xb8;
	[tilespmem:$0xC300] =	vst v63  }
0xa7: {  	_ =	swait.ge [sflag:s15], $0x800  }
0xa8: {  	[sflag:s15] =	ssyncset.done $0x0  }
0xa9: {  	s1 =	simm.s32 $0x200;
	[sflag:s15] =	ssyncadd.s32 $0xFFFFF800  }
0xaa: {  	[tilespmem:s19], [sflag:$0x1] =	stream.indirect.gather [spmem:s3], $0x10, s1, s18, $0xb8;
	[tilespmem:$0xC300] =	vst v63  }
0xab: {  	_ =	swait.ge [sflag:s26], $0x800  }
0xac: {  	[sflag:s26] =	ssyncset.done $0x0  }
0xad: {  	s31 =	simm.s32 $0x2A80;
	[sflag:s26] =	ssyncadd.s32 $0xFFFFF800  }
0xae: {  	[spmem:s2] =	stream.indirect.scatter.add.bf16 [tilespmem:s20], [sflag:$0x5], $0x10, s31, s18, $0xb8;
	[tilespmem:$0xC300] =	vst v63  }
0xaf: {  	_ =	swait.ge [sflag:s15], $0x800  }
0xb0: {  	[sflag:s15] =	ssyncset.done $0x0  }
0xb1: {  	s1 =	simm.s32 $0x280;
	[sflag:s15] =	ssyncadd.s32 $0xFFFFF800  }
0xb2: {  	[tilespmem:s20], [sflag:$0x2] =	stream.indirect.gather [spmem:s3], $0x10, s1, s18, $0xb8;
	[tilespmem:$0xC300] =	vst v63  }
0xb3: {  	_ =	swait.ge [sflag:s28], $0x800  }
0xb4: {  	[sflag:s28] =	ssyncset.done $0x0  }
0xb5: {  	s31 =	simm.s32 $0x2B00;
	[sflag:s28] =	ssyncadd.s32 $0xFFFFF800  }
0xb6: {  	[spmem:s2] =	stream.indirect.scatter.add.bf16 [tilespmem:s22], [sflag:$0x5], $0x10, s31, s18, $0xb8;
	[tilespmem:$0xC300] =	vst v63  }
0xb7: {  	_ =	swait.ge [sflag:s15], $0x800  }
0xb8: {  	[sflag:s15] =	ssyncset.done $0x0  }
0xb9: {  	s1 =	simm.s32 $0x300;
	[sflag:s15] =	ssyncadd.s32 $0xFFFFF800  }
0xba: {  	[tilespmem:s22], [sflag:$0x3] =	stream.indirect.gather [spmem:s3], $0x10, s1, s18, $0xb8;
	[tilespmem:$0xC300] =	vst v63  }
0xbb: {  	_ =	swait.ge [sflag:s29], $0x800  }
0xbc: {  	[sflag:s29] =	ssyncset.done $0x0  }
0xbd: {  	s31 =	simm.s32 $0x2B80;
	[sflag:s29] =	ssyncadd.s32 $0xFFFFF800  }
0xbe: {  	[spmem:s2] =	stream.indirect.scatter.add.bf16 [tilespmem:s24], [sflag:$0x5], $0x10, s31, s18, $0xb8;
	[tilespmem:$0xC300] =	vst v63  }
0xbf: {  	_ =	swait.ge [sflag:s15], $0x800  }
0xc0: {  	[sflag:s15] =	ssyncset.done $0x0  }
0xc1: {  	s30 =	simm.s32 $0x800;
	s0 =	simm.s32 $0x380;
	[sflag:s15] =	ssyncadd.s32 $0xFFFFF800  }
.LBB2_3:
0xc2: {  	[tilespmem:s24], [sflag:$0x4] =	stream.indirect.gather [spmem:s3], $0x10, s0, s18, $0xb8;
	[tilespmem:$0xC300] =	vst v63  }
0xc3: {  	s0 =	smov.u32 s30  }
0xc4: {  	p1 =	sne.s32 s30, $0x8800;
	s30 =	sadd.s32 $0x800, s30;
	_ =	swait.ge [sflag:s25], $0x800  }
0xc5: {  	s31 =	sshra.s32 s0, $0x2;
	[sflag:s25] =	ssyncset.done $0x0  }
0xc6: {  	s0 =	sadd.s32 $0x2A00, s31;
	[sflag:s25] =	ssyncadd.s32 $0xFFFFF800  }
0xc7: {  	[spmem:s2] =	stream.indirect.scatter.add.bf16 [tilespmem:s19], [sflag:$0x5], $0x10, s0, s18, $0xb8;
	[tilespmem:$0xC300] =	vst v63  }
0xc8: {  	_ =	swait.ge [sflag:s15], $0x800  }
0xc9: {  	[sflag:s15] =	ssyncset.done $0x0  }
0xca: {  	s0 =	sadd.s32 $0x200, s31;
	[sflag:s15] =	ssyncadd.s32 $0xFFFFF800  }
0xcb: {  	[tilespmem:s19], [sflag:$0x1] =	stream.indirect.gather [spmem:s3], $0x10, s0, s18, $0xb8;
	[tilespmem:$0xC300] =	vst v63  }
0xcc: {  	_ =	swait.ge [sflag:s26], $0x800  }
0xcd: {  	[sflag:s26] =	ssyncset.done $0x0  }
0xce: {  	s0 =	sadd.s32 $0x2A80, s31;
	[sflag:s26] =	ssyncadd.s32 $0xFFFFF800  }
0xcf: {  	[spmem:s2] =	stream.indirect.scatter.add.bf16 [tilespmem:s20], [sflag:$0x5], $0x10, s0, s18, $0xb8;
	[tilespmem:$0xC300] =	vst v63  }
0xd0: {  	_ =	swait.ge [sflag:s15], $0x800  }
0xd1: {  	[sflag:s15] =	ssyncset.done $0x0  }
0xd2: {  	s0 =	sadd.s32 $0x280, s31;
	[sflag:s15] =	ssyncadd.s32 $0xFFFFF800  }
0xd3: {  	[tilespmem:s20], [sflag:$0x2] =	stream.indirect.gather [spmem:s3], $0x10, s0, s18, $0xb8;
	[tilespmem:$0xC300] =	vst v63  }
0xd4: {  	_ =	swait.ge [sflag:s28], $0x800  }
0xd5: {  	[sflag:s28] =	ssyncset.done $0x0  }
0xd6: {  	s0 =	sadd.s32 $0x2B00, s31;
	[sflag:s28] =	ssyncadd.s32 $0xFFFFF800  }
0xd7: {  	[spmem:s2] =	stream.indirect.scatter.add.bf16 [tilespmem:s22], [sflag:$0x5], $0x10, s0, s18, $0xb8;
	[tilespmem:$0xC300] =	vst v63  }
0xd8: {  	_ =	swait.ge [sflag:s15], $0x800  }
0xd9: {  	[sflag:s15] =	ssyncset.done $0x0  }
0xda: {  	s0 =	sadd.s32 $0x300, s31;
	[sflag:s15] =	ssyncadd.s32 $0xFFFFF800  }
0xdb: {  	[tilespmem:s22], [sflag:$0x3] =	stream.indirect.gather [spmem:s3], $0x10, s0, s18, $0xb8;
	[tilespmem:$0xC300] =	vst v63  }
0xdc: {  	_ =	swait.ge [sflag:s29], $0x800  }
0xdd: {  	[sflag:s29] =	ssyncset.done $0x0  }
.Ltmp6:
0xde: {  	s0 =	sadd.s32 $0x2B80, s31;
	[sflag:s29] =	ssyncadd.s32 $0xFFFFF800;
	(pc) =	sbr.rel @p1 .LBB2_3-.Ltmp6, $4  }
0xdf: {  	[spmem:s2] =	stream.indirect.scatter.add.bf16 [tilespmem:s24], [sflag:$0x5], $0x10, s0, s18, $0xb8;
	[tilespmem:$0xC300] =	vst v63  }
0xe0: {  	_ =	swait.ge [sflag:s15], $0x800  }
0xe1: {  	[sflag:s15] =	ssyncset.done $0x0  }
0xe2: {  	s0 =	sadd.s32 $0x380, s31;
	[sflag:s15] =	ssyncadd.s32 $0xFFFFF800  }
.Ltmp7:
0xe3: {  	(pc) =	sbr.rel .LBB2_8-.Ltmp7, $4  }
0xe4: {  	_ = 	snop  }
0xe5: {  	[tilespmem:s24], [sflag:$0x4] =	stream.indirect.gather [spmem:s3], $0x10, s0, s18, $0xb8;
	[tilespmem:$0xC300] =	vst v63  }
0xe6: {  	s30 =	simm.s32 $0x4F80  }
0xe7: {  	s31 =	simm.s32 $0x4F00;
	s0 =	simm.s32 $0x4E80;
	s1 =	simm.s32 $0x4E00  }
.LBB2_9:
0xe8: {  	_ =	sfence.sel $0x180000  }
0xe9: {  	[bflag:$0x0] =	sbarrier.arrive $0xFFFF  }
0xea: {  	_ =	strace $0x9000004A  }
0xeb: {  	s0 =	stileid.u32;
	[bflag:$0x2] =	sbarrier.arrive $0xFFFF  }
0xec: {  	p0 =	sne.s32 s0, $0x0;
	s0 =	rddreg [dreg:$0x3]  }
0xed: {  	s0 =	sadd.s32 @!p0 $0x100000, s0  }
0xee: {  	[sflag:s0] =	ssyncadd.tile.s32 @!p0 $0x1;
	_ =	shalt  }
.Lfunc_end2:
_tile_overlayer_lowered:
.L_overlay_start_2:
0xef: {  	(tag) =	ssettag $0x2  }
0xf0: {  	s0 =	rddreg [dreg:$0x0];
	s2 =	stileid.u32  }
0xf1: {  	s1 =	rddreg [dreg:$0x1];
	p0 =	sne.s32 s2, $0x0  }
0xf2: {  	s3 =	rddreg [dreg:$0x2];
	[bflag:$0x3] =	sbarrier.arrive $0xFFFF;
	s2 =	simm.s32 @!p0 $0x1C05  }
0xf3: {  	[timem:s3], [sflag:s2] =	dma.local @!p0 [hbm:s0], s1  }
0xf4: {  	s0 =	simm.s32 @!p0 $0x5  }
0xf5: {  	_ =	swait.ge @!p0 [sflag:s0], s1  }
0xf6: {  	s1 =	ssub.s32 @!p0 $0x0, s1;
	[sflag:s0] =	ssyncset.done @!p0 $0x0  }
0xf7: {  	[sflag:s0] =	ssyncadd.s32 @!p0 s1  }
0xf8: {  	[bflag:$0x3] =	sbarrier.arrive $0xFFFF  }
0xf9: {  	_ =	shalt  }

</sc_bundles>
